<compile_context>
chip_gen: v7x
topology: tpu7x:2x2x1
jax: 0.10.2.dev20260603
libtpu: 0.0.44.dev20260713+nightly
codegen_flags: <defaults>
</compile_context>

<pallas_src>
import functools

import jax
import jax.numpy as jnp
from jax import lax
from jax.experimental import pallas as pl
from jax.experimental.pallas import tpu as pltpu
from jax.experimental.pallas import tpu_sc as plsc

NC = 2
NS = 16
NW = NC * NS

CHUNK = 256
NBUF = 4


@functools.partial(jax.jit, static_argnames=("V", "D", "B"))
def _gather_rows(idx2d, table, *, V, D, B):
    n_w = B // NW
    n_chunks = n_w // CHUNK
    mesh = plsc.VectorSubcoreMesh(core_axis_name="c", subcore_axis_name="s")

    n_groups = n_chunks // NBUF

    @functools.partial(
        pl.kernel,
        out_type=jax.ShapeDtypeStruct((B, D), jnp.float32),
        mesh=mesh,
        scratch_types=[
            pltpu.VMEM((n_chunks, CHUNK), jnp.int32),
            pltpu.VMEM((NBUF, CHUNK, D), jnp.float32),
            pltpu.SemaphoreType.DMA((NBUF,)),
            pltpu.SemaphoreType.DMA((NBUF,)),
        ],
        compiler_params=pltpu.CompilerParams(use_tc_tiling_on_sc=False),
    )
    def k(idx_hbm, table_hbm, out_hbm, idx_v, rows_v, gsem, wsem):
        wid = lax.axis_index("s") * NC + lax.axis_index("c")
        base = wid * n_w
        pltpu.sync_copy(idx_hbm.at[pl.ds(wid * n_chunks, n_chunks)], idx_v)

        def gather(j, b):
            pltpu.async_copy(table_hbm.at[idx_v.at[j]], rows_v.at[b], gsem.at[b])

        def wait_gather(j, b):
            pltpu.make_async_copy(
                table_hbm.at[idx_v.at[j]], rows_v.at[b], gsem.at[b]
            ).wait()

        def write(j, b):
            pltpu.async_copy(
                rows_v.at[b], out_hbm.at[pl.ds(base + j * CHUNK, CHUNK)], wsem.at[b]
            )

        def wait_write(j, b):
            pltpu.make_async_copy(
                rows_v.at[b], out_hbm.at[pl.ds(base + j * CHUNK, CHUNK)], wsem.at[b]
            ).wait()

        for b in range(NBUF):
            gather(b, b)

        def body(g, _):
            jg = g * NBUF
            for b in range(NBUF):
                wait_gather(jg + b, b)
                write(jg + b, b)

            @pl.when(g + 1 < n_groups)
            def _():
                for b in range(NBUF):
                    wait_write(jg + b, b)
                    gather(jg + NBUF + b, b)

            return 0

        lax.fori_loop(0, n_groups, body, 0)

        for b in range(NBUF):
            wait_write((n_groups - 1) * NBUF + b, b)

    return k(idx2d, table)


def kernel(x, table):
    B, T = x.shape
    V, D = table.shape
    n = B * T
    idx2d = x.astype(jnp.int32).reshape(n // CHUNK, CHUNK)
    out = _gather_rows(idx2d, table, V=V, D=D, B=n)
    return out.reshape(B, T, D)

# --- scband reference (transcript-rebuilt; emitter-appended) ---
"""Pipeline reference for scband-token-embedding-2491081031974 (READ-ONLY COPY).

The authoritative reference and input builder live on the scoring server;
editing this copy changes nothing except your own understanding.
"""

import jax, jax.numpy as jnp
import numpy as np

VOCAB_SIZE = 1000000
EMBED_DIM = 64
BATCH = 16384
HIST_LEN = 50


def setup_inputs(seed: int = 0) -> dict:
    key = jax.random.key(seed)
    k_idx, k_tab = jax.random.split(key)
    x = jax.random.randint(k_idx, (BATCH, HIST_LEN), 0, VOCAB_SIZE, dtype=jnp.int64 if jax.config.jax_enable_x64 else jnp.int32)
    table = jax.random.normal(k_tab, (VOCAB_SIZE, EMBED_DIM), dtype=jnp.float32)
    return {"x": x, "table": table}


def reference(x, table):
    # nn.Embedding forward: row gather from the embedding table
    return jnp.take(table, x, axis=0)

if __name__ == "__main__":
    import jax
    _d = setup_inputs()
    print(jax.jit(kernel)(*tuple(_d.values())))

</pallas_src>

<mosaic_0001>
#map = affine_map<(d0, d1) -> (0, 0)>
module attributes {stable_mosaic.version = 14 : i64} {
  func.func @k(%arg0: i32, %arg1: i32, %arg2: memref<3200x256xi32, #tpu.memory_space<hbm>>, %arg3: memref<1000000x64xf32, #tpu.memory_space<hbm>>, %arg4: memref<819200x64xf32, #tpu.memory_space<hbm>>, %arg5: memref<100x256xi32, #tpu.memory_space<vmem>>, %arg6: memref<4x256x64xf32, #tpu.memory_space<vmem>>, %arg7: memref<4x!tpu.dma_semaphore, #tpu.memory_space<semaphore_mem>>, %arg8: memref<4x!tpu.dma_semaphore, #tpu.memory_space<semaphore_mem>>) attributes {dimension_semantics = [#tpu.dimension_semantics<core_parallel>, #tpu.dimension_semantics<subcore_parallel>], iteration_bounds = array<i64: 2, 16>, scalar_prefetch = 0 : i64, scratch_operands = 4 : i64, tpu.core_type = #tpu.core_type<sc_vector_subcore>, window_params = [{transform_indices = #map}, {transform_indices = #map}, {transform_indices = #map}]} {
    %mul3A = arith.constant 2 : i32
    %mul3A_0 = arith.muli %arg1, %mul3A : i32
    %add3A = arith.addi %mul3A_0, %arg0 : i32
    %mul3A_1 = arith.constant 25600 : i32
    %mul3A_2 = arith.muli %add3A, %mul3A_1 : i32
    %mul3A_3 = arith.constant 100 : i32
    %mul3A_4 = arith.muli %add3A, %mul3A_3 : i32
    "tpu.region"() ({
      %run_scoped3A = tpu.sem_alloc : memref<!tpu.dma_semaphore, #tpu.memory_space<semaphore_mem>>
      %dma_start3A_141 = arith.constant 0 : i32
      %dma_start3A_142 = tpu.memref_slice %arg2[%mul3A_4, %dma_start3A_141] : memref<3200x256xi32, #tpu.memory_space<hbm>> -> memref<100x256xi32, #tpu.memory_space<hbm>>
      %dma_start3A_143 = arith.constant 0 : i32
      %dma_start3A_144 = tpu.memref_slice %arg2[%mul3A_4, %dma_start3A_143] : memref<3200x256xi32, #tpu.memory_space<hbm>> -> memref<100x256xi32, #tpu.memory_space<hbm>>
      tpu.enqueue_dma source(%dma_start3A_144 : memref<100x256xi32, #tpu.memory_space<hbm>>) target(%arg5 : memref<100x256xi32, #tpu.memory_space<vmem>>) target_semaphore(%run_scoped3A : memref<!tpu.dma_semaphore, #tpu.memory_space<semaphore_mem>>)
      %dma_wait3A_145 = arith.constant 0 : i32
      %dma_wait3A_146 = tpu.memref_slice %arg2[%mul3A_4, %dma_wait3A_145] : memref<3200x256xi32, #tpu.memory_space<hbm>> -> memref<100x256xi32, #tpu.memory_space<hbm>>
      %dma_wait3A_147 = arith.constant 0 : i32
      %dma_wait3A_148 = tpu.memref_slice %arg2[%mul3A_4, %dma_wait3A_147] : memref<3200x256xi32, #tpu.memory_space<hbm>> -> memref<100x256xi32, #tpu.memory_space<hbm>>
      tpu.wait_dma2 semaphore(%run_scoped3A : memref<!tpu.dma_semaphore, #tpu.memory_space<semaphore_mem>>) src(%dma_wait3A_148 : memref<100x256xi32, #tpu.memory_space<hbm>>) dst(%arg5 : memref<100x256xi32, #tpu.memory_space<vmem>>)
      tpu.yield
    }) : () -> ()
    %dma_start3A = arith.constant 0 : i32
    %dma_start3A_5 = arith.constant 0 : i32
    %dma_start3A_6 = arith.constant 0 : i32
    %dma_start3A_7 = arith.constant 0 : i32
    %dma_start3A_8 = arith.constant 0 : i32
    %dma_start3A_9 = tpu.memref_slice %arg6[%dma_start3A_5, %dma_start3A_7, %dma_start3A_8] : memref<4x256x64xf32, #tpu.memory_space<vmem>> -> memref<1x256x64xf32, #tpu.memory_space<vmem>>
    %dma_start3A_10 = tpu.memref_squeeze %dma_start3A_9 : memref<1x256x64xf32, #tpu.memory_space<vmem>> -> memref<256x64xf32, #tpu.memory_space<vmem>>
    %dma_start3A_11 = arith.constant 0 : i32
    %dma_start3A_12 = tpu.memref_slice %arg5[%dma_start3A, %dma_start3A_11] : memref<100x256xi32, #tpu.memory_space<vmem>> -> memref<1x256xi32, #tpu.memory_space<vmem>>
    %dma_start3A_13 = tpu.memref_squeeze %dma_start3A_12 : memref<1x256xi32, #tpu.memory_space<vmem>> -> memref<256xi32, #tpu.memory_space<vmem>>
    %dma_start3A_14 = arith.constant 0 : i32
    %dma_start3A_15 = arith.constant 0 : i32
    %dma_start3A_16 = tpu.memref_slice %arg3[%dma_start3A_14, %dma_start3A_15] : memref<1000000x64xf32, #tpu.memory_space<hbm>> -> memref<1000000x64xf32, #tpu.memory_space<hbm>>
    %dma_start3A_17 = tpu.memref_slice %arg7[%dma_start3A_6] : memref<4x!tpu.dma_semaphore, #tpu.memory_space<semaphore_mem>> -> memref<1x!tpu.dma_semaphore, #tpu.memory_space<semaphore_mem>>
    %dma_start3A_18 = tpu.memref_squeeze %dma_start3A_17 : memref<1x!tpu.dma_semaphore, #tpu.memory_space<semaphore_mem>> -> memref<!tpu.dma_semaphore, #tpu.memory_space<semaphore_mem>>
    tpu.enqueue_indirect_dma source(%dma_start3A_16 : memref<1000000x64xf32, #tpu.memory_space<hbm>>) target(%dma_start3A_10 : memref<256x64xf32, #tpu.memory_space<vmem>>) offsets(%dma_start3A_13 : memref<256xi32, #tpu.memory_space<vmem>>) semaphore(%dma_start3A_18 : memref<!tpu.dma_semaphore, #tpu.memory_space<semaphore_mem>>)
    %dma_start3A_19 = arith.constant 1 : i32
    %dma_start3A_20 = arith.constant 1 : i32
    %dma_start3A_21 = arith.constant 1 : i32
    %dma_start3A_22 = arith.constant 0 : i32
    %dma_start3A_23 = arith.constant 0 : i32
    %dma_start3A_24 = tpu.memref_slice %arg6[%dma_start3A_20, %dma_start3A_22, %dma_start3A_23] : memref<4x256x64xf32, #tpu.memory_space<vmem>> -> memref<1x256x64xf32, #tpu.memory_space<vmem>>
    %dma_start3A_25 = tpu.memref_squeeze %dma_start3A_24 : memref<1x256x64xf32, #tpu.memory_space<vmem>> -> memref<256x64xf32, #tpu.memory_space<vmem>>
    %dma_start3A_26 = arith.constant 0 : i32
    %dma_start3A_27 = tpu.memref_slice %arg5[%dma_start3A_19, %dma_start3A_26] : memref<100x256xi32, #tpu.memory_space<vmem>> -> memref<1x256xi32, #tpu.memory_space<vmem>>
    %dma_start3A_28 = tpu.memref_squeeze %dma_start3A_27 : memref<1x256xi32, #tpu.memory_space<vmem>> -> memref<256xi32, #tpu.memory_space<vmem>>
    %dma_start3A_29 = arith.constant 0 : i32
    %dma_start3A_30 = arith.constant 0 : i32
    %dma_start3A_31 = tpu.memref_slice %arg3[%dma_start3A_29, %dma_start3A_30] : memref<1000000x64xf32, #tpu.memory_space<hbm>> -> memref<1000000x64xf32, #tpu.memory_space<hbm>>
    %dma_start3A_32 = tpu.memref_slice %arg7[%dma_start3A_21] : memref<4x!tpu.dma_semaphore, #tpu.memory_space<semaphore_mem>> -> memref<1x!tpu.dma_semaphore, #tpu.memory_space<semaphore_mem>>
    %dma_start3A_33 = tpu.memref_squeeze %dma_start3A_32 : memref<1x!tpu.dma_semaphore, #tpu.memory_space<semaphore_mem>> -> memref<!tpu.dma_semaphore, #tpu.memory_space<semaphore_mem>>
    tpu.enqueue_indirect_dma source(%dma_start3A_31 : memref<1000000x64xf32, #tpu.memory_space<hbm>>) target(%dma_start3A_25 : memref<256x64xf32, #tpu.memory_space<vmem>>) offsets(%dma_start3A_28 : memref<256xi32, #tpu.memory_space<vmem>>) semaphore(%dma_start3A_33 : memref<!tpu.dma_semaphore, #tpu.memory_space<semaphore_mem>>)
    %dma_start3A_34 = arith.constant 2 : i32
    %dma_start3A_35 = arith.constant 2 : i32
    %dma_start3A_36 = arith.constant 2 : i32
    %dma_start3A_37 = arith.constant 0 : i32
    %dma_start3A_38 = arith.constant 0 : i32
    %dma_start3A_39 = tpu.memref_slice %arg6[%dma_start3A_35, %dma_start3A_37, %dma_start3A_38] : memref<4x256x64xf32, #tpu.memory_space<vmem>> -> memref<1x256x64xf32, #tpu.memory_space<vmem>>
    %dma_start3A_40 = tpu.memref_squeeze %dma_start3A_39 : memref<1x256x64xf32, #tpu.memory_space<vmem>> -> memref<256x64xf32, #tpu.memory_space<vmem>>
    %dma_start3A_41 = arith.constant 0 : i32
    %dma_start3A_42 = tpu.memref_slice %arg5[%dma_start3A_34, %dma_start3A_41] : memref<100x256xi32, #tpu.memory_space<vmem>> -> memref<1x256xi32, #tpu.memory_space<vmem>>
    %dma_start3A_43 = tpu.memref_squeeze %dma_start3A_42 : memref<1x256xi32, #tpu.memory_space<vmem>> -> memref<256xi32, #tpu.memory_space<vmem>>
    %dma_start3A_44 = arith.constant 0 : i32
    %dma_start3A_45 = arith.constant 0 : i32
    %dma_start3A_46 = tpu.memref_slice %arg3[%dma_start3A_44, %dma_start3A_45] : memref<1000000x64xf32, #tpu.memory_space<hbm>> -> memref<1000000x64xf32, #tpu.memory_space<hbm>>
    %dma_start3A_47 = tpu.memref_slice %arg7[%dma_start3A_36] : memref<4x!tpu.dma_semaphore, #tpu.memory_space<semaphore_mem>> -> memref<1x!tpu.dma_semaphore, #tpu.memory_space<semaphore_mem>>
    %dma_start3A_48 = tpu.memref_squeeze %dma_start3A_47 : memref<1x!tpu.dma_semaphore, #tpu.memory_space<semaphore_mem>> -> memref<!tpu.dma_semaphore, #tpu.memory_space<semaphore_mem>>
    tpu.enqueue_indirect_dma source(%dma_start3A_46 : memref<1000000x64xf32, #tpu.memory_space<hbm>>) target(%dma_start3A_40 : memref<256x64xf32, #tpu.memory_space<vmem>>) offsets(%dma_start3A_43 : memref<256xi32, #tpu.memory_space<vmem>>) semaphore(%dma_start3A_48 : memref<!tpu.dma_semaphore, #tpu.memory_space<semaphore_mem>>)
    %dma_start3A_49 = arith.constant 3 : i32
    %dma_start3A_50 = arith.constant 3 : i32
    %dma_start3A_51 = arith.constant 3 : i32
    %dma_start3A_52 = arith.constant 0 : i32
    %dma_start3A_53 = arith.constant 0 : i32
    %dma_start3A_54 = tpu.memref_slice %arg6[%dma_start3A_50, %dma_start3A_52, %dma_start3A_53] : memref<4x256x64xf32, #tpu.memory_space<vmem>> -> memref<1x256x64xf32, #tpu.memory_space<vmem>>
    %dma_start3A_55 = tpu.memref_squeeze %dma_start3A_54 : memref<1x256x64xf32, #tpu.memory_space<vmem>> -> memref<256x64xf32, #tpu.memory_space<vmem>>
    %dma_start3A_56 = arith.constant 0 : i32
    %dma_start3A_57 = tpu.memref_slice %arg5[%dma_start3A_49, %dma_start3A_56] : memref<100x256xi32, #tpu.memory_space<vmem>> -> memref<1x256xi32, #tpu.memory_space<vmem>>
    %dma_start3A_58 = tpu.memref_squeeze %dma_start3A_57 : memref<1x256xi32, #tpu.memory_space<vmem>> -> memref<256xi32, #tpu.memory_space<vmem>>
    %dma_start3A_59 = arith.constant 0 : i32
    %dma_start3A_60 = arith.constant 0 : i32
    %dma_start3A_61 = tpu.memref_slice %arg3[%dma_start3A_59, %dma_start3A_60] : memref<1000000x64xf32, #tpu.memory_space<hbm>> -> memref<1000000x64xf32, #tpu.memory_space<hbm>>
    %dma_start3A_62 = tpu.memref_slice %arg7[%dma_start3A_51] : memref<4x!tpu.dma_semaphore, #tpu.memory_space<semaphore_mem>> -> memref<1x!tpu.dma_semaphore, #tpu.memory_space<semaphore_mem>>
    %dma_start3A_63 = tpu.memref_squeeze %dma_start3A_62 : memref<1x!tpu.dma_semaphore, #tpu.memory_space<semaphore_mem>> -> memref<!tpu.dma_semaphore, #tpu.memory_space<semaphore_mem>>
    tpu.enqueue_indirect_dma source(%dma_start3A_61 : memref<1000000x64xf32, #tpu.memory_space<hbm>>) target(%dma_start3A_55 : memref<256x64xf32, #tpu.memory_space<vmem>>) offsets(%dma_start3A_58 : memref<256xi32, #tpu.memory_space<vmem>>) semaphore(%dma_start3A_63 : memref<!tpu.dma_semaphore, #tpu.memory_space<semaphore_mem>>)
    %scan3A = arith.constant 0 : i32
    %scan3A_64 = arith.constant 0 : i32
    %scan3A_65 = arith.constant 25 : i32
    %scan3A_66 = arith.addi %scan3A_64, %scan3A_65 : i32
    %scan3A_67 = arith.constant 1 : i32
    %scan3A_68 = scf.for %scan3A_141 = %scan3A_64 to %scan3A_66 step %scan3A_67 iter_args(%scan3A_142 = %scan3A) -> (i32)  : i32 {
      %mul3A_143 = arith.constant 4 : i32
      %mul3A_144 = arith.muli %scan3A_141, %mul3A_143 : i32
      %add3A_145 = arith.constant 0 : i32
      %add3A_146 = arith.addi %mul3A_144, %add3A_145 : i32
      %dma_wait3A_147 = arith.constant 0 : i32
      %dma_wait3A_148 = arith.constant 0 : i32
      %dma_wait3A_149 = arith.constant 0 : i32
      %dma_wait3A_150 = arith.constant 0 : i32
      %dma_wait3A_151 = tpu.memref_slice %arg6[%dma_wait3A_147, %dma_wait3A_149, %dma_wait3A_150] : memref<4x256x64xf32, #tpu.memory_space<vmem>> -> memref<1x256x64xf32, #tpu.memory_space<vmem>>
      %dma_wait3A_152 = tpu.memref_squeeze %dma_wait3A_151 : memref<1x256x64xf32, #tpu.memory_space<vmem>> -> memref<256x64xf32, #tpu.memory_space<vmem>>
      %dma_wait3A_153 = arith.constant 0 : i32
      %dma_wait3A_154 = tpu.memref_slice %arg5[%add3A_146, %dma_wait3A_153] : memref<100x256xi32, #tpu.memory_space<vmem>> -> memref<1x256xi32, #tpu.memory_space<vmem>>
      %dma_wait3A_155 = tpu.memref_squeeze %dma_wait3A_154 : memref<1x256xi32, #tpu.memory_space<vmem>> -> memref<256xi32, #tpu.memory_space<vmem>>
      %dma_wait3A_156 = arith.constant 0 : i32
      %dma_wait3A_157 = arith.constant 0 : i32
      %dma_wait3A_158 = tpu.memref_slice %arg3[%dma_wait3A_156, %dma_wait3A_157] : memref<1000000x64xf32, #tpu.memory_space<hbm>> -> memref<1000000x64xf32, #tpu.memory_space<hbm>>
      %dma_wait3A_159 = tpu.memref_slice %arg7[%dma_wait3A_148] : memref<4x!tpu.dma_semaphore, #tpu.memory_space<semaphore_mem>> -> memref<1x!tpu.dma_semaphore, #tpu.memory_space<semaphore_mem>>
      %dma_wait3A_160 = tpu.memref_squeeze %dma_wait3A_159 : memref<1x!tpu.dma_semaphore, #tpu.memory_space<semaphore_mem>> -> memref<!tpu.dma_semaphore, #tpu.memory_space<semaphore_mem>>
      tpu.wait_indirect_dma semaphore(%dma_wait3A_160 : memref<!tpu.dma_semaphore, #tpu.memory_space<semaphore_mem>>) src(%dma_wait3A_158 : memref<1000000x64xf32, #tpu.memory_space<hbm>>) dst(%dma_wait3A_152 : memref<256x64xf32, #tpu.memory_space<vmem>>)
      %add3A_161 = arith.constant 0 : i32
      %add3A_162 = arith.addi %mul3A_144, %add3A_161 : i32
      %mul3A_163 = arith.constant 256 : i32
      %mul3A_164 = arith.muli %add3A_162, %mul3A_163 : i32
      %add3A_165 = arith.addi %mul3A_2, %mul3A_164 : i32
      %dma_start3A_166 = arith.constant 0 : i32
      %dma_start3A_167 = arith.constant 0 : i32
      %dma_start3A_168 = arith.constant 0 : i32
      %dma_start3A_169 = arith.constant 0 : i32
      %dma_start3A_170 = tpu.memref_slice %arg6[%dma_start3A_166, %dma_start3A_168, %dma_start3A_169] : memref<4x256x64xf32, #tpu.memory_space<vmem>> -> memref<1x256x64xf32, #tpu.memory_space<vmem>>
      %dma_start3A_171 = tpu.memref_squeeze %dma_start3A_170 : memref<1x256x64xf32, #tpu.memory_space<vmem>> -> memref<256x64xf32, #tpu.memory_space<vmem>>
      %dma_start3A_172 = arith.constant 0 : i32
      %dma_start3A_173 = tpu.memref_slice %arg4[%add3A_165, %dma_start3A_172] : memref<819200x64xf32, #tpu.memory_space<hbm>> -> memref<256x64xf32, #tpu.memory_space<hbm>>
      %dma_start3A_174 = tpu.memref_slice %arg8[%dma_start3A_167] : memref<4x!tpu.dma_semaphore, #tpu.memory_space<semaphore_mem>> -> memref<1x!tpu.dma_semaphore, #tpu.memory_space<semaphore_mem>>
      %dma_start3A_175 = tpu.memref_squeeze %dma_start3A_174 : memref<1x!tpu.dma_semaphore, #tpu.memory_space<semaphore_mem>> -> memref<!tpu.dma_semaphore, #tpu.memory_space<semaphore_mem>>
      %dma_start3A_176 = arith.constant 0 : i32
      %dma_start3A_177 = tpu.memref_slice %arg4[%add3A_165, %dma_start3A_176] : memref<819200x64xf32, #tpu.memory_space<hbm>> -> memref<256x64xf32, #tpu.memory_space<hbm>>
      %dma_start3A_178 = arith.constant 0 : i32
      %dma_start3A_179 = arith.constant 0 : i32
      %dma_start3A_180 = tpu.memref_slice %arg6[%dma_start3A_166, %dma_start3A_178, %dma_start3A_179] : memref<4x256x64xf32, #tpu.memory_space<vmem>> -> memref<1x256x64xf32, #tpu.memory_space<vmem>>
      %dma_start3A_181 = tpu.memref_squeeze %dma_start3A_180 : memref<1x256x64xf32, #tpu.memory_space<vmem>> -> memref<256x64xf32, #tpu.memory_space<vmem>>
      tpu.enqueue_dma source(%dma_start3A_181 : memref<256x64xf32, #tpu.memory_space<vmem>>) target(%dma_start3A_177 : memref<256x64xf32, #tpu.memory_space<hbm>>) target_semaphore(%dma_start3A_175 : memref<!tpu.dma_semaphore, #tpu.memory_space<semaphore_mem>>)
      %add3A_182 = arith.constant 1 : i32
      %add3A_183 = arith.addi %mul3A_144, %add3A_182 : i32
      %dma_wait3A_184 = arith.constant 1 : i32
      %dma_wait3A_185 = arith.constant 1 : i32
      %dma_wait3A_186 = arith.constant 0 : i32
      %dma_wait3A_187 = arith.constant 0 : i32
      %dma_wait3A_188 = tpu.memref_slice %arg6[%dma_wait3A_184, %dma_wait3A_186, %dma_wait3A_187] : memref<4x256x64xf32, #tpu.memory_space<vmem>> -> memref<1x256x64xf32, #tpu.memory_space<vmem>>
      %dma_wait3A_189 = tpu.memref_squeeze %dma_wait3A_188 : memref<1x256x64xf32, #tpu.memory_space<vmem>> -> memref<256x64xf32, #tpu.memory_space<vmem>>
      %dma_wait3A_190 = arith.constant 0 : i32
      %dma_wait3A_191 = tpu.memref_slice %arg5[%add3A_183, %dma_wait3A_190] : memref<100x256xi32, #tpu.memory_space<vmem>> -> memref<1x256xi32, #tpu.memory_space<vmem>>
      %dma_wait3A_192 = tpu.memref_squeeze %dma_wait3A_191 : memref<1x256xi32, #tpu.memory_space<vmem>> -> memref<256xi32, #tpu.memory_space<vmem>>
      %dma_wait3A_193 = arith.constant 0 : i32
      %dma_wait3A_194 = arith.constant 0 : i32
      %dma_wait3A_195 = tpu.memref_slice %arg3[%dma_wait3A_193, %dma_wait3A_194] : memref<1000000x64xf32, #tpu.memory_space<hbm>> -> memref<1000000x64xf32, #tpu.memory_space<hbm>>
      %dma_wait3A_196 = tpu.memref_slice %arg7[%dma_wait3A_185] : memref<4x!tpu.dma_semaphore, #tpu.memory_space<semaphore_mem>> -> memref<1x!tpu.dma_semaphore, #tpu.memory_space<semaphore_mem>>
      %dma_wait3A_197 = tpu.memref_squeeze %dma_wait3A_196 : memref<1x!tpu.dma_semaphore, #tpu.memory_space<semaphore_mem>> -> memref<!tpu.dma_semaphore, #tpu.memory_space<semaphore_mem>>
      tpu.wait_indirect_dma semaphore(%dma_wait3A_197 : memref<!tpu.dma_semaphore, #tpu.memory_space<semaphore_mem>>) src(%dma_wait3A_195 : memref<1000000x64xf32, #tpu.memory_space<hbm>>) dst(%dma_wait3A_189 : memref<256x64xf32, #tpu.memory_space<vmem>>)
      %add3A_198 = arith.constant 1 : i32
      %add3A_199 = arith.addi %mul3A_144, %add3A_198 : i32
      %mul3A_200 = arith.constant 256 : i32
      %mul3A_201 = arith.muli %add3A_199, %mul3A_200 : i32
      %add3A_202 = arith.addi %mul3A_2, %mul3A_201 : i32
      %dma_start3A_203 = arith.constant 1 : i32
      %dma_start3A_204 = arith.constant 1 : i32
      %dma_start3A_205 = arith.constant 0 : i32
      %dma_start3A_206 = arith.constant 0 : i32
      %dma_start3A_207 = tpu.memref_slice %arg6[%dma_start3A_203, %dma_start3A_205, %dma_start3A_206] : memref<4x256x64xf32, #tpu.memory_space<vmem>> -> memref<1x256x64xf32, #tpu.memory_space<vmem>>
      %dma_start3A_208 = tpu.memref_squeeze %dma_start3A_207 : memref<1x256x64xf32, #tpu.memory_space<vmem>> -> memref<256x64xf32, #tpu.memory_space<vmem>>
      %dma_start3A_209 = arith.constant 0 : i32
      %dma_start3A_210 = tpu.memref_slice %arg4[%add3A_202, %dma_start3A_209] : memref<819200x64xf32, #tpu.memory_space<hbm>> -> memref<256x64xf32, #tpu.memory_space<hbm>>
      %dma_start3A_211 = tpu.memref_slice %arg8[%dma_start3A_204] : memref<4x!tpu.dma_semaphore, #tpu.memory_space<semaphore_mem>> -> memref<1x!tpu.dma_semaphore, #tpu.memory_space<semaphore_mem>>
      %dma_start3A_212 = tpu.memref_squeeze %dma_start3A_211 : memref<1x!tpu.dma_semaphore, #tpu.memory_space<semaphore_mem>> -> memref<!tpu.dma_semaphore, #tpu.memory_space<semaphore_mem>>
      %dma_start3A_213 = arith.constant 0 : i32
      %dma_start3A_214 = tpu.memref_slice %arg4[%add3A_202, %dma_start3A_213] : memref<819200x64xf32, #tpu.memory_space<hbm>> -> memref<256x64xf32, #tpu.memory_space<hbm>>
      %dma_start3A_215 = arith.constant 0 : i32
      %dma_start3A_216 = arith.constant 0 : i32
      %dma_start3A_217 = tpu.memref_slice %arg6[%dma_start3A_203, %dma_start3A_215, %dma_start3A_216] : memref<4x256x64xf32, #tpu.memory_space<vmem>> -> memref<1x256x64xf32, #tpu.memory_space<vmem>>
      %dma_start3A_218 = tpu.memref_squeeze %dma_start3A_217 : memref<1x256x64xf32, #tpu.memory_space<vmem>> -> memref<256x64xf32, #tpu.memory_space<vmem>>
      tpu.enqueue_dma source(%dma_start3A_218 : memref<256x64xf32, #tpu.memory_space<vmem>>) target(%dma_start3A_214 : memref<256x64xf32, #tpu.memory_space<hbm>>) target_semaphore(%dma_start3A_212 : memref<!tpu.dma_semaphore, #tpu.memory_space<semaphore_mem>>)
      %add3A_219 = arith.constant 2 : i32
      %add3A_220 = arith.addi %mul3A_144, %add3A_219 : i32
      %dma_wait3A_221 = arith.constant 2 : i32
      %dma_wait3A_222 = arith.constant 2 : i32
      %dma_wait3A_223 = arith.constant 0 : i32
      %dma_wait3A_224 = arith.constant 0 : i32
      %dma_wait3A_225 = tpu.memref_slice %arg6[%dma_wait3A_221, %dma_wait3A_223, %dma_wait3A_224] : memref<4x256x64xf32, #tpu.memory_space<vmem>> -> memref<1x256x64xf32, #tpu.memory_space<vmem>>
      %dma_wait3A_226 = tpu.memref_squeeze %dma_wait3A_225 : memref<1x256x64xf32, #tpu.memory_space<vmem>> -> memref<256x64xf32, #tpu.memory_space<vmem>>
      %dma_wait3A_227 = arith.constant 0 : i32
      %dma_wait3A_228 = tpu.memref_slice %arg5[%add3A_220, %dma_wait3A_227] : memref<100x256xi32, #tpu.memory_space<vmem>> -> memref<1x256xi32, #tpu.memory_space<vmem>>
      %dma_wait3A_229 = tpu.memref_squeeze %dma_wait3A_228 : memref<1x256xi32, #tpu.memory_space<vmem>> -> memref<256xi32, #tpu.memory_space<vmem>>
      %dma_wait3A_230 = arith.constant 0 : i32
      %dma_wait3A_231 = arith.constant 0 : i32
      %dma_wait3A_232 = tpu.memref_slice %arg3[%dma_wait3A_230, %dma_wait3A_231] : memref<1000000x64xf32, #tpu.memory_space<hbm>> -> memref<1000000x64xf32, #tpu.memory_space<hbm>>
      %dma_wait3A_233 = tpu.memref_slice %arg7[%dma_wait3A_222] : memref<4x!tpu.dma_semaphore, #tpu.memory_space<semaphore_mem>> -> memref<1x!tpu.dma_semaphore, #tpu.memory_space<semaphore_mem>>
      %dma_wait3A_234 = tpu.memref_squeeze %dma_wait3A_233 : memref<1x!tpu.dma_semaphore, #tpu.memory_space<semaphore_mem>> -> memref<!tpu.dma_semaphore, #tpu.memory_space<semaphore_mem>>
      tpu.wait_indirect_dma semaphore(%dma_wait3A_234 : memref<!tpu.dma_semaphore, #tpu.memory_space<semaphore_mem>>) src(%dma_wait3A_232 : memref<1000000x64xf32, #tpu.memory_space<hbm>>) dst(%dma_wait3A_226 : memref<256x64xf32, #tpu.memory_space<vmem>>)
      %add3A_235 = arith.constant 2 : i32
      %add3A_236 = arith.addi %mul3A_144, %add3A_235 : i32
      %mul3A_237 = arith.constant 256 : i32
      %mul3A_238 = arith.muli %add3A_236, %mul3A_237 : i32
      %add3A_239 = arith.addi %mul3A_2, %mul3A_238 : i32
      %dma_start3A_240 = arith.constant 2 : i32
      %dma_start3A_241 = arith.constant 2 : i32
      %dma_start3A_242 = arith.constant 0 : i32
      %dma_start3A_243 = arith.constant 0 : i32
      %dma_start3A_244 = tpu.memref_slice %arg6[%dma_start3A_240, %dma_start3A_242, %dma_start3A_243] : memref<4x256x64xf32, #tpu.memory_space<vmem>> -> memref<1x256x64xf32, #tpu.memory_space<vmem>>
      %dma_start3A_245 = tpu.memref_squeeze %dma_start3A_244 : memref<1x256x64xf32, #tpu.memory_space<vmem>> -> memref<256x64xf32, #tpu.memory_space<vmem>>
      %dma_start3A_246 = arith.constant 0 : i32
      %dma_start3A_247 = tpu.memref_slice %arg4[%add3A_239, %dma_start3A_246] : memref<819200x64xf32, #tpu.memory_space<hbm>> -> memref<256x64xf32, #tpu.memory_space<hbm>>
      %dma_start3A_248 = tpu.memref_slice %arg8[%dma_start3A_241] : memref<4x!tpu.dma_semaphore, #tpu.memory_space<semaphore_mem>> -> memref<1x!tpu.dma_semaphore, #tpu.memory_space<semaphore_mem>>
      %dma_start3A_249 = tpu.memref_squeeze %dma_start3A_248 : memref<1x!tpu.dma_semaphore, #tpu.memory_space<semaphore_mem>> -> memref<!tpu.dma_semaphore, #tpu.memory_space<semaphore_mem>>
      %dma_start3A_250 = arith.constant 0 : i32
      %dma_start3A_251 = tpu.memref_slice %arg4[%add3A_239, %dma_start3A_250] : memref<819200x64xf32, #tpu.memory_space<hbm>> -> memref<256x64xf32, #tpu.memory_space<hbm>>
      %dma_start3A_252 = arith.constant 0 : i32
      %dma_start3A_253 = arith.constant 0 : i32
      %dma_start3A_254 = tpu.memref_slice %arg6[%dma_start3A_240, %dma_start3A_252, %dma_start3A_253] : memref<4x256x64xf32, #tpu.memory_space<vmem>> -> memref<1x256x64xf32, #tpu.memory_space<vmem>>
      %dma_start3A_255 = tpu.memref_squeeze %dma_start3A_254 : memref<1x256x64xf32, #tpu.memory_space<vmem>> -> memref<256x64xf32, #tpu.memory_space<vmem>>
      tpu.enqueue_dma source(%dma_start3A_255 : memref<256x64xf32, #tpu.memory_space<vmem>>) target(%dma_start3A_251 : memref<256x64xf32, #tpu.memory_space<hbm>>) target_semaphore(%dma_start3A_249 : memref<!tpu.dma_semaphore, #tpu.memory_space<semaphore_mem>>)
      %add3A_256 = arith.constant 3 : i32
      %add3A_257 = arith.addi %mul3A_144, %add3A_256 : i32
      %dma_wait3A_258 = arith.constant 3 : i32
      %dma_wait3A_259 = arith.constant 3 : i32
      %dma_wait3A_260 = arith.constant 0 : i32
      %dma_wait3A_261 = arith.constant 0 : i32
      %dma_wait3A_262 = tpu.memref_slice %arg6[%dma_wait3A_258, %dma_wait3A_260, %dma_wait3A_261] : memref<4x256x64xf32, #tpu.memory_space<vmem>> -> memref<1x256x64xf32, #tpu.memory_space<vmem>>
      %dma_wait3A_263 = tpu.memref_squeeze %dma_wait3A_262 : memref<1x256x64xf32, #tpu.memory_space<vmem>> -> memref<256x64xf32, #tpu.memory_space<vmem>>
      %dma_wait3A_264 = arith.constant 0 : i32
      %dma_wait3A_265 = tpu.memref_slice %arg5[%add3A_257, %dma_wait3A_264] : memref<100x256xi32, #tpu.memory_space<vmem>> -> memref<1x256xi32, #tpu.memory_space<vmem>>
      %dma_wait3A_266 = tpu.memref_squeeze %dma_wait3A_265 : memref<1x256xi32, #tpu.memory_space<vmem>> -> memref<256xi32, #tpu.memory_space<vmem>>
      %dma_wait3A_267 = arith.constant 0 : i32
      %dma_wait3A_268 = arith.constant 0 : i32
      %dma_wait3A_269 = tpu.memref_slice %arg3[%dma_wait3A_267, %dma_wait3A_268] : memref<1000000x64xf32, #tpu.memory_space<hbm>> -> memref<1000000x64xf32, #tpu.memory_space<hbm>>
      %dma_wait3A_270 = tpu.memref_slice %arg7[%dma_wait3A_259] : memref<4x!tpu.dma_semaphore, #tpu.memory_space<semaphore_mem>> -> memref<1x!tpu.dma_semaphore, #tpu.memory_space<semaphore_mem>>
      %dma_wait3A_271 = tpu.memref_squeeze %dma_wait3A_270 : memref<1x!tpu.dma_semaphore, #tpu.memory_space<semaphore_mem>> -> memref<!tpu.dma_semaphore, #tpu.memory_space<semaphore_mem>>
      tpu.wait_indirect_dma semaphore(%dma_wait3A_271 : memref<!tpu.dma_semaphore, #tpu.memory_space<semaphore_mem>>) src(%dma_wait3A_269 : memref<1000000x64xf32, #tpu.memory_space<hbm>>) dst(%dma_wait3A_263 : memref<256x64xf32, #tpu.memory_space<vmem>>)
      %add3A_272 = arith.constant 3 : i32
      %add3A_273 = arith.addi %mul3A_144, %add3A_272 : i32
      %mul3A_274 = arith.constant 256 : i32
      %mul3A_275 = arith.muli %add3A_273, %mul3A_274 : i32
      %add3A_276 = arith.addi %mul3A_2, %mul3A_275 : i32
      %dma_start3A_277 = arith.constant 3 : i32
      %dma_start3A_278 = arith.constant 3 : i32
      %dma_start3A_279 = arith.constant 0 : i32
      %dma_start3A_280 = arith.constant 0 : i32
      %dma_start3A_281 = tpu.memref_slice %arg6[%dma_start3A_277, %dma_start3A_279, %dma_start3A_280] : memref<4x256x64xf32, #tpu.memory_space<vmem>> -> memref<1x256x64xf32, #tpu.memory_space<vmem>>
      %dma_start3A_282 = tpu.memref_squeeze %dma_start3A_281 : memref<1x256x64xf32, #tpu.memory_space<vmem>> -> memref<256x64xf32, #tpu.memory_space<vmem>>
      %dma_start3A_283 = arith.constant 0 : i32
      %dma_start3A_284 = tpu.memref_slice %arg4[%add3A_276, %dma_start3A_283] : memref<819200x64xf32, #tpu.memory_space<hbm>> -> memref<256x64xf32, #tpu.memory_space<hbm>>
      %dma_start3A_285 = tpu.memref_slice %arg8[%dma_start3A_278] : memref<4x!tpu.dma_semaphore, #tpu.memory_space<semaphore_mem>> -> memref<1x!tpu.dma_semaphore, #tpu.memory_space<semaphore_mem>>
      %dma_start3A_286 = tpu.memref_squeeze %dma_start3A_285 : memref<1x!tpu.dma_semaphore, #tpu.memory_space<semaphore_mem>> -> memref<!tpu.dma_semaphore, #tpu.memory_space<semaphore_mem>>
      %dma_start3A_287 = arith.constant 0 : i32
      %dma_start3A_288 = tpu.memref_slice %arg4[%add3A_276, %dma_start3A_287] : memref<819200x64xf32, #tpu.memory_space<hbm>> -> memref<256x64xf32, #tpu.memory_space<hbm>>
      %dma_start3A_289 = arith.constant 0 : i32
      %dma_start3A_290 = arith.constant 0 : i32
      %dma_start3A_291 = tpu.memref_slice %arg6[%dma_start3A_277, %dma_start3A_289, %dma_start3A_290] : memref<4x256x64xf32, #tpu.memory_space<vmem>> -> memref<1x256x64xf32, #tpu.memory_space<vmem>>
      %dma_start3A_292 = tpu.memref_squeeze %dma_start3A_291 : memref<1x256x64xf32, #tpu.memory_space<vmem>> -> memref<256x64xf32, #tpu.memory_space<vmem>>
      tpu.enqueue_dma source(%dma_start3A_292 : memref<256x64xf32, #tpu.memory_space<vmem>>) target(%dma_start3A_288 : memref<256x64xf32, #tpu.memory_space<hbm>>) target_semaphore(%dma_start3A_286 : memref<!tpu.dma_semaphore, #tpu.memory_space<semaphore_mem>>)
      %add3A_293 = arith.constant 1 : i32
      %add3A_294 = arith.addi %scan3A_141, %add3A_293 : i32
      %lt3A = arith.constant 25 : i32
      %lt3A_295 = arith.cmpi slt, %add3A_294, %lt3A : i32
      %convert_element_type3A = arith.extui %lt3A_295 : i1 to i32
      %cond3A = arith.constant 0 : i32
      %cond3A_296 = arith.cmpi ne, %convert_element_type3A, %cond3A : i32
      scf.if %cond3A_296 {
        %add3A_298 = arith.constant 0 : i32
        %add3A_299 = arith.addi %mul3A_144, %add3A_298 : i32
        %mul3A_300 = arith.constant 256 : i32
        %mul3A_301 = arith.muli %add3A_299, %mul3A_300 : i32
        %add3A_302 = arith.addi %mul3A_2, %mul3A_301 : i32
        %dma_wait3A_303 = arith.constant 0 : i32
        %dma_wait3A_304 = arith.constant 0 : i32
        %dma_wait3A_305 = arith.constant 0 : i32
        %dma_wait3A_306 = arith.constant 0 : i32
        %dma_wait3A_307 = tpu.memref_slice %arg6[%dma_wait3A_303, %dma_wait3A_305, %dma_wait3A_306] : memref<4x256x64xf32, #tpu.memory_space<vmem>> -> memref<1x256x64xf32, #tpu.memory_space<vmem>>
        %dma_wait3A_308 = tpu.memref_squeeze %dma_wait3A_307 : memref<1x256x64xf32, #tpu.memory_space<vmem>> -> memref<256x64xf32, #tpu.memory_space<vmem>>
        %dma_wait3A_309 = arith.constant 0 : i32
        %dma_wait3A_310 = tpu.memref_slice %arg4[%add3A_302, %dma_wait3A_309] : memref<819200x64xf32, #tpu.memory_space<hbm>> -> memref<256x64xf32, #tpu.memory_space<hbm>>
        %dma_wait3A_311 = tpu.memref_slice %arg8[%dma_wait3A_304] : memref<4x!tpu.dma_semaphore, #tpu.memory_space<semaphore_mem>> -> memref<1x!tpu.dma_semaphore, #tpu.memory_space<semaphore_mem>>
        %dma_wait3A_312 = tpu.memref_squeeze %dma_wait3A_311 : memref<1x!tpu.dma_semaphore, #tpu.memory_space<semaphore_mem>> -> memref<!tpu.dma_semaphore, #tpu.memory_space<semaphore_mem>>
        %dma_wait3A_313 = arith.constant 0 : i32
        %dma_wait3A_314 = tpu.memref_slice %arg4[%add3A_302, %dma_wait3A_313] : memref<819200x64xf32, #tpu.memory_space<hbm>> -> memref<256x64xf32, #tpu.memory_space<hbm>>
        %dma_wait3A_315 = arith.constant 0 : i32
        %dma_wait3A_316 = arith.constant 0 : i32
        %dma_wait3A_317 = tpu.memref_slice %arg6[%dma_wait3A_303, %dma_wait3A_315, %dma_wait3A_316] : memref<4x256x64xf32, #tpu.memory_space<vmem>> -> memref<1x256x64xf32, #tpu.memory_space<vmem>>
        %dma_wait3A_318 = tpu.memref_squeeze %dma_wait3A_317 : memref<1x256x64xf32, #tpu.memory_space<vmem>> -> memref<256x64xf32, #tpu.memory_space<vmem>>
        tpu.wait_dma2 semaphore(%dma_wait3A_312 : memref<!tpu.dma_semaphore, #tpu.memory_space<semaphore_mem>>) src(%dma_wait3A_318 : memref<256x64xf32, #tpu.memory_space<vmem>>) dst(%dma_wait3A_314 : memref<256x64xf32, #tpu.memory_space<hbm>>)
        %add3A_319 = arith.constant 4 : i32
        %add3A_320 = arith.addi %mul3A_144, %add3A_319 : i32
        %add3A_321 = arith.constant 0 : i32
        %add3A_322 = arith.addi %add3A_320, %add3A_321 : i32
        %dma_start3A_323 = arith.constant 0 : i32
        %dma_start3A_324 = arith.constant 0 : i32
        %dma_start3A_325 = arith.constant 0 : i32
        %dma_start3A_326 = arith.constant 0 : i32
        %dma_start3A_327 = tpu.memref_slice %arg6[%dma_start3A_323, %dma_start3A_325, %dma_start3A_326] : memref<4x256x64xf32, #tpu.memory_space<vmem>> -> memref<1x256x64xf32, #tpu.memory_space<vmem>>
        %dma_start3A_328 = tpu.memref_squeeze %dma_start3A_327 : memref<1x256x64xf32, #tpu.memory_space<vmem>> -> memref<256x64xf32, #tpu.memory_space<vmem>>
        %dma_start3A_329 = arith.constant 0 : i32
        %dma_start3A_330 = tpu.memref_slice %arg5[%add3A_322, %dma_start3A_329] : memref<100x256xi32, #tpu.memory_space<vmem>> -> memref<1x256xi32, #tpu.memory_space<vmem>>
        %dma_start3A_331 = tpu.memref_squeeze %dma_start3A_330 : memref<1x256xi32, #tpu.memory_space<vmem>> -> memref<256xi32, #tpu.memory_space<vmem>>
        %dma_start3A_332 = arith.constant 0 : i32
        %dma_start3A_333 = arith.constant 0 : i32
        %dma_start3A_334 = tpu.memref_slice %arg3[%dma_start3A_332, %dma_start3A_333] : memref<1000000x64xf32, #tpu.memory_space<hbm>> -> memref<1000000x64xf32, #tpu.memory_space<hbm>>
        %dma_start3A_335 = tpu.memref_slice %arg7[%dma_start3A_324] : memref<4x!tpu.dma_semaphore, #tpu.memory_space<semaphore_mem>> -> memref<1x!tpu.dma_semaphore, #tpu.memory_space<semaphore_mem>>
        %dma_start3A_336 = tpu.memref_squeeze %dma_start3A_335 : memref<1x!tpu.dma_semaphore, #tpu.memory_space<semaphore_mem>> -> memref<!tpu.dma_semaphore, #tpu.memory_space<semaphore_mem>>
        tpu.enqueue_indirect_dma source(%dma_start3A_334 : memref<1000000x64xf32, #tpu.memory_space<hbm>>) target(%dma_start3A_328 : memref<256x64xf32, #tpu.memory_space<vmem>>) offsets(%dma_start3A_331 : memref<256xi32, #tpu.memory_space<vmem>>) semaphore(%dma_start3A_336 : memref<!tpu.dma_semaphore, #tpu.memory_space<semaphore_mem>>)
        %add3A_337 = arith.constant 1 : i32
        %add3A_338 = arith.addi %mul3A_144, %add3A_337 : i32
        %mul3A_339 = arith.constant 256 : i32
        %mul3A_340 = arith.muli %add3A_338, %mul3A_339 : i32
        %add3A_341 = arith.addi %mul3A_2, %mul3A_340 : i32
        %dma_wait3A_342 = arith.constant 1 : i32
        %dma_wait3A_343 = arith.constant 1 : i32
        %dma_wait3A_344 = arith.constant 0 : i32
        %dma_wait3A_345 = arith.constant 0 : i32
        %dma_wait3A_346 = tpu.memref_slice %arg6[%dma_wait3A_342, %dma_wait3A_344, %dma_wait3A_345] : memref<4x256x64xf32, #tpu.memory_space<vmem>> -> memref<1x256x64xf32, #tpu.memory_space<vmem>>
        %dma_wait3A_347 = tpu.memref_squeeze %dma_wait3A_346 : memref<1x256x64xf32, #tpu.memory_space<vmem>> -> memref<256x64xf32, #tpu.memory_space<vmem>>
        %dma_wait3A_348 = arith.constant 0 : i32
        %dma_wait3A_349 = tpu.memref_slice %arg4[%add3A_341, %dma_wait3A_348] : memref<819200x64xf32, #tpu.memory_space<hbm>> -> memref<256x64xf32, #tpu.memory_space<hbm>>
        %dma_wait3A_350 = tpu.memref_slice %arg8[%dma_wait3A_343] : memref<4x!tpu.dma_semaphore, #tpu.memory_space<semaphore_mem>> -> memref<1x!tpu.dma_semaphore, #tpu.memory_space<semaphore_mem>>
        %dma_wait3A_351 = tpu.memref_squeeze %dma_wait3A_350 : memref<1x!tpu.dma_semaphore, #tpu.memory_space<semaphore_mem>> -> memref<!tpu.dma_semaphore, #tpu.memory_space<semaphore_mem>>
        %dma_wait3A_352 = arith.constant 0 : i32
        %dma_wait3A_353 = tpu.memref_slice %arg4[%add3A_341, %dma_wait3A_352] : memref<819200x64xf32, #tpu.memory_space<hbm>> -> memref<256x64xf32, #tpu.memory_space<hbm>>
        %dma_wait3A_354 = arith.constant 0 : i32
        %dma_wait3A_355 = arith.constant 0 : i32
        %dma_wait3A_356 = tpu.memref_slice %arg6[%dma_wait3A_342, %dma_wait3A_354, %dma_wait3A_355] : memref<4x256x64xf32, #tpu.memory_space<vmem>> -> memref<1x256x64xf32, #tpu.memory_space<vmem>>
        %dma_wait3A_357 = tpu.memref_squeeze %dma_wait3A_356 : memref<1x256x64xf32, #tpu.memory_space<vmem>> -> memref<256x64xf32, #tpu.memory_space<vmem>>
        tpu.wait_dma2 semaphore(%dma_wait3A_351 : memref<!tpu.dma_semaphore, #tpu.memory_space<semaphore_mem>>) src(%dma_wait3A_357 : memref<256x64xf32, #tpu.memory_space<vmem>>) dst(%dma_wait3A_353 : memref<256x64xf32, #tpu.memory_space<hbm>>)
        %add3A_358 = arith.constant 4 : i32
        %add3A_359 = arith.addi %mul3A_144, %add3A_358 : i32
        %add3A_360 = arith.constant 1 : i32
        %add3A_361 = arith.addi %add3A_359, %add3A_360 : i32
        %dma_start3A_362 = arith.constant 1 : i32
        %dma_start3A_363 = arith.constant 1 : i32
        %dma_start3A_364 = arith.constant 0 : i32
        %dma_start3A_365 = arith.constant 0 : i32
        %dma_start3A_366 = tpu.memref_slice %arg6[%dma_start3A_362, %dma_start3A_364, %dma_start3A_365] : memref<4x256x64xf32, #tpu.memory_space<vmem>> -> memref<1x256x64xf32, #tpu.memory_space<vmem>>
        %dma_start3A_367 = tpu.memref_squeeze %dma_start3A_366 : memref<1x256x64xf32, #tpu.memory_space<vmem>> -> memref<256x64xf32, #tpu.memory_space<vmem>>
        %dma_start3A_368 = arith.constant 0 : i32
        %dma_start3A_369 = tpu.memref_slice %arg5[%add3A_361, %dma_start3A_368] : memref<100x256xi32, #tpu.memory_space<vmem>> -> memref<1x256xi32, #tpu.memory_space<vmem>>
        %dma_start3A_370 = tpu.memref_squeeze %dma_start3A_369 : memref<1x256xi32, #tpu.memory_space<vmem>> -> memref<256xi32, #tpu.memory_space<vmem>>
        %dma_start3A_371 = arith.constant 0 : i32
        %dma_start3A_372 = arith.constant 0 : i32
        %dma_start3A_373 = tpu.memref_slice %arg3[%dma_start3A_371, %dma_start3A_372] : memref<1000000x64xf32, #tpu.memory_space<hbm>> -> memref<1000000x64xf32, #tpu.memory_space<hbm>>
        %dma_start3A_374 = tpu.memref_slice %arg7[%dma_start3A_363] : memref<4x!tpu.dma_semaphore, #tpu.memory_space<semaphore_mem>> -> memref<1x!tpu.dma_semaphore, #tpu.memory_space<semaphore_mem>>
        %dma_start3A_375 = tpu.memref_squeeze %dma_start3A_374 : memref<1x!tpu.dma_semaphore, #tpu.memory_space<semaphore_mem>> -> memref<!tpu.dma_semaphore, #tpu.memory_space<semaphore_mem>>
        tpu.enqueue_indirect_dma source(%dma_start3A_373 : memref<1000000x64xf32, #tpu.memory_space<hbm>>) target(%dma_start3A_367 : memref<256x64xf32, #tpu.memory_space<vmem>>) offsets(%dma_start3A_370 : memref<256xi32, #tpu.memory_space<vmem>>) semaphore(%dma_start3A_375 : memref<!tpu.dma_semaphore, #tpu.memory_space<semaphore_mem>>)
        %add3A_376 = arith.constant 2 : i32
        %add3A_377 = arith.addi %mul3A_144, %add3A_376 : i32
        %mul3A_378 = arith.constant 256 : i32
        %mul3A_379 = arith.muli %add3A_377, %mul3A_378 : i32
        %add3A_380 = arith.addi %mul3A_2, %mul3A_379 : i32
        %dma_wait3A_381 = arith.constant 2 : i32
        %dma_wait3A_382 = arith.constant 2 : i32
        %dma_wait3A_383 = arith.constant 0 : i32
        %dma_wait3A_384 = arith.constant 0 : i32
        %dma_wait3A_385 = tpu.memref_slice %arg6[%dma_wait3A_381, %dma_wait3A_383, %dma_wait3A_384] : memref<4x256x64xf32, #tpu.memory_space<vmem>> -> memref<1x256x64xf32, #tpu.memory_space<vmem>>
        %dma_wait3A_386 = tpu.memref_squeeze %dma_wait3A_385 : memref<1x256x64xf32, #tpu.memory_space<vmem>> -> memref<256x64xf32, #tpu.memory_space<vmem>>
        %dma_wait3A_387 = arith.constant 0 : i32
        %dma_wait3A_388 = tpu.memref_slice %arg4[%add3A_380, %dma_wait3A_387] : memref<819200x64xf32, #tpu.memory_space<hbm>> -> memref<256x64xf32, #tpu.memory_space<hbm>>
        %dma_wait3A_389 = tpu.memref_slice %arg8[%dma_wait3A_382] : memref<4x!tpu.dma_semaphore, #tpu.memory_space<semaphore_mem>> -> memref<1x!tpu.dma_semaphore, #tpu.memory_space<semaphore_mem>>
        %dma_wait3A_390 = tpu.memref_squeeze %dma_wait3A_389 : memref<1x!tpu.dma_semaphore, #tpu.memory_space<semaphore_mem>> -> memref<!tpu.dma_semaphore, #tpu.memory_space<semaphore_mem>>
        %dma_wait3A_391 = arith.constant 0 : i32
        %dma_wait3A_392 = tpu.memref_slice %arg4[%add3A_380, %dma_wait3A_391] : memref<819200x64xf32, #tpu.memory_space<hbm>> -> memref<256x64xf32, #tpu.memory_space<hbm>>
        %dma_wait3A_393 = arith.constant 0 : i32
        %dma_wait3A_394 = arith.constant 0 : i32
        %dma_wait3A_395 = tpu.memref_slice %arg6[%dma_wait3A_381, %dma_wait3A_393, %dma_wait3A_394] : memref<4x256x64xf32, #tpu.memory_space<vmem>> -> memref<1x256x64xf32, #tpu.memory_space<vmem>>
        %dma_wait3A_396 = tpu.memref_squeeze %dma_wait3A_395 : memref<1x256x64xf32, #tpu.memory_space<vmem>> -> memref<256x64xf32, #tpu.memory_space<vmem>>
        tpu.wait_dma2 semaphore(%dma_wait3A_390 : memref<!tpu.dma_semaphore, #tpu.memory_space<semaphore_mem>>) src(%dma_wait3A_396 : memref<256x64xf32, #tpu.memory_space<vmem>>) dst(%dma_wait3A_392 : memref<256x64xf32, #tpu.memory_space<hbm>>)
        %add3A_397 = arith.constant 4 : i32
        %add3A_398 = arith.addi %mul3A_144, %add3A_397 : i32
        %add3A_399 = arith.constant 2 : i32
        %add3A_400 = arith.addi %add3A_398, %add3A_399 : i32
        %dma_start3A_401 = arith.constant 2 : i32
        %dma_start3A_402 = arith.constant 2 : i32
        %dma_start3A_403 = arith.constant 0 : i32
        %dma_start3A_404 = arith.constant 0 : i32
        %dma_start3A_405 = tpu.memref_slice %arg6[%dma_start3A_401, %dma_start3A_403, %dma_start3A_404] : memref<4x256x64xf32, #tpu.memory_space<vmem>> -> memref<1x256x64xf32, #tpu.memory_space<vmem>>
        %dma_start3A_406 = tpu.memref_squeeze %dma_start3A_405 : memref<1x256x64xf32, #tpu.memory_space<vmem>> -> memref<256x64xf32, #tpu.memory_space<vmem>>
        %dma_start3A_407 = arith.constant 0 : i32
        %dma_start3A_408 = tpu.memref_slice %arg5[%add3A_400, %dma_start3A_407] : memref<100x256xi32, #tpu.memory_space<vmem>> -> memref<1x256xi32, #tpu.memory_space<vmem>>
        %dma_start3A_409 = tpu.memref_squeeze %dma_start3A_408 : memref<1x256xi32, #tpu.memory_space<vmem>> -> memref<256xi32, #tpu.memory_space<vmem>>
        %dma_start3A_410 = arith.constant 0 : i32
        %dma_start3A_411 = arith.constant 0 : i32
        %dma_start3A_412 = tpu.memref_slice %arg3[%dma_start3A_410, %dma_start3A_411] : memref<1000000x64xf32, #tpu.memory_space<hbm>> -> memref<1000000x64xf32, #tpu.memory_space<hbm>>
        %dma_start3A_413 = tpu.memref_slice %arg7[%dma_start3A_402] : memref<4x!tpu.dma_semaphore, #tpu.memory_space<semaphore_mem>> -> memref<1x!tpu.dma_semaphore, #tpu.memory_space<semaphore_mem>>
        %dma_start3A_414 = tpu.memref_squeeze %dma_start3A_413 : memref<1x!tpu.dma_semaphore, #tpu.memory_space<semaphore_mem>> -> memref<!tpu.dma_semaphore, #tpu.memory_space<semaphore_mem>>
        tpu.enqueue_indirect_dma source(%dma_start3A_412 : memref<1000000x64xf32, #tpu.memory_space<hbm>>) target(%dma_start3A_406 : memref<256x64xf32, #tpu.memory_space<vmem>>) offsets(%dma_start3A_409 : memref<256xi32, #tpu.memory_space<vmem>>) semaphore(%dma_start3A_414 : memref<!tpu.dma_semaphore, #tpu.memory_space<semaphore_mem>>)
        %add3A_415 = arith.constant 3 : i32
        %add3A_416 = arith.addi %mul3A_144, %add3A_415 : i32
        %mul3A_417 = arith.constant 256 : i32
        %mul3A_418 = arith.muli %add3A_416, %mul3A_417 : i32
        %add3A_419 = arith.addi %mul3A_2, %mul3A_418 : i32
        %dma_wait3A_420 = arith.constant 3 : i32
        %dma_wait3A_421 = arith.constant 3 : i32
        %dma_wait3A_422 = arith.constant 0 : i32
        %dma_wait3A_423 = arith.constant 0 : i32
        %dma_wait3A_424 = tpu.memref_slice %arg6[%dma_wait3A_420, %dma_wait3A_422, %dma_wait3A_423] : memref<4x256x64xf32, #tpu.memory_space<vmem>> -> memref<1x256x64xf32, #tpu.memory_space<vmem>>
        %dma_wait3A_425 = tpu.memref_squeeze %dma_wait3A_424 : memref<1x256x64xf32, #tpu.memory_space<vmem>> -> memref<256x64xf32, #tpu.memory_space<vmem>>
        %dma_wait3A_426 = arith.constant 0 : i32
        %dma_wait3A_427 = tpu.memref_slice %arg4[%add3A_419, %dma_wait3A_426] : memref<819200x64xf32, #tpu.memory_space<hbm>> -> memref<256x64xf32, #tpu.memory_space<hbm>>
        %dma_wait3A_428 = tpu.memref_slice %arg8[%dma_wait3A_421] : memref<4x!tpu.dma_semaphore, #tpu.memory_space<semaphore_mem>> -> memref<1x!tpu.dma_semaphore, #tpu.memory_space<semaphore_mem>>
        %dma_wait3A_429 = tpu.memref_squeeze %dma_wait3A_428 : memref<1x!tpu.dma_semaphore, #tpu.memory_space<semaphore_mem>> -> memref<!tpu.dma_semaphore, #tpu.memory_space<semaphore_mem>>
        %dma_wait3A_430 = arith.constant 0 : i32
        %dma_wait3A_431 = tpu.memref_slice %arg4[%add3A_419, %dma_wait3A_430] : memref<819200x64xf32, #tpu.memory_space<hbm>> -> memref<256x64xf32, #tpu.memory_space<hbm>>
        %dma_wait3A_432 = arith.constant 0 : i32
        %dma_wait3A_433 = arith.constant 0 : i32
        %dma_wait3A_434 = tpu.memref_slice %arg6[%dma_wait3A_420, %dma_wait3A_432, %dma_wait3A_433] : memref<4x256x64xf32, #tpu.memory_space<vmem>> -> memref<1x256x64xf32, #tpu.memory_space<vmem>>
        %dma_wait3A_435 = tpu.memref_squeeze %dma_wait3A_434 : memref<1x256x64xf32, #tpu.memory_space<vmem>> -> memref<256x64xf32, #tpu.memory_space<vmem>>
        tpu.wait_dma2 semaphore(%dma_wait3A_429 : memref<!tpu.dma_semaphore, #tpu.memory_space<semaphore_mem>>) src(%dma_wait3A_435 : memref<256x64xf32, #tpu.memory_space<vmem>>) dst(%dma_wait3A_431 : memref<256x64xf32, #tpu.memory_space<hbm>>)
        %add3A_436 = arith.constant 4 : i32
        %add3A_437 = arith.addi %mul3A_144, %add3A_436 : i32
        %add3A_438 = arith.constant 3 : i32
        %add3A_439 = arith.addi %add3A_437, %add3A_438 : i32
        %dma_start3A_440 = arith.constant 3 : i32
        %dma_start3A_441 = arith.constant 3 : i32
        %dma_start3A_442 = arith.constant 0 : i32
        %dma_start3A_443 = arith.constant 0 : i32
        %dma_start3A_444 = tpu.memref_slice %arg6[%dma_start3A_440, %dma_start3A_442, %dma_start3A_443] : memref<4x256x64xf32, #tpu.memory_space<vmem>> -> memref<1x256x64xf32, #tpu.memory_space<vmem>>
        %dma_start3A_445 = tpu.memref_squeeze %dma_start3A_444 : memref<1x256x64xf32, #tpu.memory_space<vmem>> -> memref<256x64xf32, #tpu.memory_space<vmem>>
        %dma_start3A_446 = arith.constant 0 : i32
        %dma_start3A_447 = tpu.memref_slice %arg5[%add3A_439, %dma_start3A_446] : memref<100x256xi32, #tpu.memory_space<vmem>> -> memref<1x256xi32, #tpu.memory_space<vmem>>
        %dma_start3A_448 = tpu.memref_squeeze %dma_start3A_447 : memref<1x256xi32, #tpu.memory_space<vmem>> -> memref<256xi32, #tpu.memory_space<vmem>>
        %dma_start3A_449 = arith.constant 0 : i32
        %dma_start3A_450 = arith.constant 0 : i32
        %dma_start3A_451 = tpu.memref_slice %arg3[%dma_start3A_449, %dma_start3A_450] : memref<1000000x64xf32, #tpu.memory_space<hbm>> -> memref<1000000x64xf32, #tpu.memory_space<hbm>>
        %dma_start3A_452 = tpu.memref_slice %arg7[%dma_start3A_441] : memref<4x!tpu.dma_semaphore, #tpu.memory_space<semaphore_mem>> -> memref<1x!tpu.dma_semaphore, #tpu.memory_space<semaphore_mem>>
        %dma_start3A_453 = tpu.memref_squeeze %dma_start3A_452 : memref<1x!tpu.dma_semaphore, #tpu.memory_space<semaphore_mem>> -> memref<!tpu.dma_semaphore, #tpu.memory_space<semaphore_mem>>
        tpu.enqueue_indirect_dma source(%dma_start3A_451 : memref<1000000x64xf32, #tpu.memory_space<hbm>>) target(%dma_start3A_445 : memref<256x64xf32, #tpu.memory_space<vmem>>) offsets(%dma_start3A_448 : memref<256xi32, #tpu.memory_space<vmem>>) semaphore(%dma_start3A_453 : memref<!tpu.dma_semaphore, #tpu.memory_space<semaphore_mem>>)
      } else {
      }
      %scan3A_297 = arith.constant 0 : i32
      scf.yield %scan3A_297 : i32
    }
    %scan3A_69 = arith.constant 25 : i32
    %add3A_70 = arith.constant 24576 : i32
    %add3A_71 = arith.addi %mul3A_2, %add3A_70 : i32
    %dma_wait3A = arith.constant 0 : i32
    %dma_wait3A_72 = arith.constant 0 : i32
    %dma_wait3A_73 = arith.constant 0 : i32
    %dma_wait3A_74 = arith.constant 0 : i32
    %dma_wait3A_75 = tpu.memref_slice %arg6[%dma_wait3A, %dma_wait3A_73, %dma_wait3A_74] : memref<4x256x64xf32, #tpu.memory_space<vmem>> -> memref<1x256x64xf32, #tpu.memory_space<vmem>>
    %dma_wait3A_76 = tpu.memref_squeeze %dma_wait3A_75 : memref<1x256x64xf32, #tpu.memory_space<vmem>> -> memref<256x64xf32, #tpu.memory_space<vmem>>
    %dma_wait3A_77 = arith.constant 0 : i32
    %dma_wait3A_78 = tpu.memref_slice %arg4[%add3A_71, %dma_wait3A_77] : memref<819200x64xf32, #tpu.memory_space<hbm>> -> memref<256x64xf32, #tpu.memory_space<hbm>>
    %dma_wait3A_79 = tpu.memref_slice %arg8[%dma_wait3A_72] : memref<4x!tpu.dma_semaphore, #tpu.memory_space<semaphore_mem>> -> memref<1x!tpu.dma_semaphore, #tpu.memory_space<semaphore_mem>>
    %dma_wait3A_80 = tpu.memref_squeeze %dma_wait3A_79 : memref<1x!tpu.dma_semaphore, #tpu.memory_space<semaphore_mem>> -> memref<!tpu.dma_semaphore, #tpu.memory_space<semaphore_mem>>
    %dma_wait3A_81 = arith.constant 0 : i32
    %dma_wait3A_82 = tpu.memref_slice %arg4[%add3A_71, %dma_wait3A_81] : memref<819200x64xf32, #tpu.memory_space<hbm>> -> memref<256x64xf32, #tpu.memory_space<hbm>>
    %dma_wait3A_83 = arith.constant 0 : i32
    %dma_wait3A_84 = arith.constant 0 : i32
    %dma_wait3A_85 = tpu.memref_slice %arg6[%dma_wait3A, %dma_wait3A_83, %dma_wait3A_84] : memref<4x256x64xf32, #tpu.memory_space<vmem>> -> memref<1x256x64xf32, #tpu.memory_space<vmem>>
    %dma_wait3A_86 = tpu.memref_squeeze %dma_wait3A_85 : memref<1x256x64xf32, #tpu.memory_space<vmem>> -> memref<256x64xf32, #tpu.memory_space<vmem>>
    tpu.wait_dma2 semaphore(%dma_wait3A_80 : memref<!tpu.dma_semaphore, #tpu.memory_space<semaphore_mem>>) src(%dma_wait3A_86 : memref<256x64xf32, #tpu.memory_space<vmem>>) dst(%dma_wait3A_82 : memref<256x64xf32, #tpu.memory_space<hbm>>)
    %add3A_87 = arith.constant 24832 : i32
    %add3A_88 = arith.addi %mul3A_2, %add3A_87 : i32
    %dma_wait3A_89 = arith.constant 1 : i32
    %dma_wait3A_90 = arith.constant 1 : i32
    %dma_wait3A_91 = arith.constant 0 : i32
    %dma_wait3A_92 = arith.constant 0 : i32
    %dma_wait3A_93 = tpu.memref_slice %arg6[%dma_wait3A_89, %dma_wait3A_91, %dma_wait3A_92] : memref<4x256x64xf32, #tpu.memory_space<vmem>> -> memref<1x256x64xf32, #tpu.memory_space<vmem>>
    %dma_wait3A_94 = tpu.memref_squeeze %dma_wait3A_93 : memref<1x256x64xf32, #tpu.memory_space<vmem>> -> memref<256x64xf32, #tpu.memory_space<vmem>>
    %dma_wait3A_95 = arith.constant 0 : i32
    %dma_wait3A_96 = tpu.memref_slice %arg4[%add3A_88, %dma_wait3A_95] : memref<819200x64xf32, #tpu.memory_space<hbm>> -> memref<256x64xf32, #tpu.memory_space<hbm>>
    %dma_wait3A_97 = tpu.memref_slice %arg8[%dma_wait3A_90] : memref<4x!tpu.dma_semaphore, #tpu.memory_space<semaphore_mem>> -> memref<1x!tpu.dma_semaphore, #tpu.memory_space<semaphore_mem>>
    %dma_wait3A_98 = tpu.memref_squeeze %dma_wait3A_97 : memref<1x!tpu.dma_semaphore, #tpu.memory_space<semaphore_mem>> -> memref<!tpu.dma_semaphore, #tpu.memory_space<semaphore_mem>>
    %dma_wait3A_99 = arith.constant 0 : i32
    %dma_wait3A_100 = tpu.memref_slice %arg4[%add3A_88, %dma_wait3A_99] : memref<819200x64xf32, #tpu.memory_space<hbm>> -> memref<256x64xf32, #tpu.memory_space<hbm>>
    %dma_wait3A_101 = arith.constant 0 : i32
    %dma_wait3A_102 = arith.constant 0 : i32
    %dma_wait3A_103 = tpu.memref_slice %arg6[%dma_wait3A_89, %dma_wait3A_101, %dma_wait3A_102] : memref<4x256x64xf32, #tpu.memory_space<vmem>> -> memref<1x256x64xf32, #tpu.memory_space<vmem>>
    %dma_wait3A_104 = tpu.memref_squeeze %dma_wait3A_103 : memref<1x256x64xf32, #tpu.memory_space<vmem>> -> memref<256x64xf32, #tpu.memory_space<vmem>>
    tpu.wait_dma2 semaphore(%dma_wait3A_98 : memref<!tpu.dma_semaphore, #tpu.memory_space<semaphore_mem>>) src(%dma_wait3A_104 : memref<256x64xf32, #tpu.memory_space<vmem>>) dst(%dma_wait3A_100 : memref<256x64xf32, #tpu.memory_space<hbm>>)
    %add3A_105 = arith.constant 25088 : i32
    %add3A_106 = arith.addi %mul3A_2, %add3A_105 : i32
    %dma_wait3A_107 = arith.constant 2 : i32
    %dma_wait3A_108 = arith.constant 2 : i32
    %dma_wait3A_109 = arith.constant 0 : i32
    %dma_wait3A_110 = arith.constant 0 : i32
    %dma_wait3A_111 = tpu.memref_slice %arg6[%dma_wait3A_107, %dma_wait3A_109, %dma_wait3A_110] : memref<4x256x64xf32, #tpu.memory_space<vmem>> -> memref<1x256x64xf32, #tpu.memory_space<vmem>>
    %dma_wait3A_112 = tpu.memref_squeeze %dma_wait3A_111 : memref<1x256x64xf32, #tpu.memory_space<vmem>> -> memref<256x64xf32, #tpu.memory_space<vmem>>
    %dma_wait3A_113 = arith.constant 0 : i32
    %dma_wait3A_114 = tpu.memref_slice %arg4[%add3A_106, %dma_wait3A_113] : memref<819200x64xf32, #tpu.memory_space<hbm>> -> memref<256x64xf32, #tpu.memory_space<hbm>>
    %dma_wait3A_115 = tpu.memref_slice %arg8[%dma_wait3A_108] : memref<4x!tpu.dma_semaphore, #tpu.memory_space<semaphore_mem>> -> memref<1x!tpu.dma_semaphore, #tpu.memory_space<semaphore_mem>>
    %dma_wait3A_116 = tpu.memref_squeeze %dma_wait3A_115 : memref<1x!tpu.dma_semaphore, #tpu.memory_space<semaphore_mem>> -> memref<!tpu.dma_semaphore, #tpu.memory_space<semaphore_mem>>
    %dma_wait3A_117 = arith.constant 0 : i32
    %dma_wait3A_118 = tpu.memref_slice %arg4[%add3A_106, %dma_wait3A_117] : memref<819200x64xf32, #tpu.memory_space<hbm>> -> memref<256x64xf32, #tpu.memory_space<hbm>>
    %dma_wait3A_119 = arith.constant 0 : i32
    %dma_wait3A_120 = arith.constant 0 : i32
    %dma_wait3A_121 = tpu.memref_slice %arg6[%dma_wait3A_107, %dma_wait3A_119, %dma_wait3A_120] : memref<4x256x64xf32, #tpu.memory_space<vmem>> -> memref<1x256x64xf32, #tpu.memory_space<vmem>>
    %dma_wait3A_122 = tpu.memref_squeeze %dma_wait3A_121 : memref<1x256x64xf32, #tpu.memory_space<vmem>> -> memref<256x64xf32, #tpu.memory_space<vmem>>
    tpu.wait_dma2 semaphore(%dma_wait3A_116 : memref<!tpu.dma_semaphore, #tpu.memory_space<semaphore_mem>>) src(%dma_wait3A_122 : memref<256x64xf32, #tpu.memory_space<vmem>>) dst(%dma_wait3A_118 : memref<256x64xf32, #tpu.memory_space<hbm>>)
    %add3A_123 = arith.constant 25344 : i32
    %add3A_124 = arith.addi %mul3A_2, %add3A_123 : i32
    %dma_wait3A_125 = arith.constant 3 : i32
    %dma_wait3A_126 = arith.constant 3 : i32
    %dma_wait3A_127 = arith.constant 0 : i32
    %dma_wait3A_128 = arith.constant 0 : i32
    %dma_wait3A_129 = tpu.memref_slice %arg6[%dma_wait3A_125, %dma_wait3A_127, %dma_wait3A_128] : memref<4x256x64xf32, #tpu.memory_space<vmem>> -> memref<1x256x64xf32, #tpu.memory_space<vmem>>
    %dma_wait3A_130 = tpu.memref_squeeze %dma_wait3A_129 : memref<1x256x64xf32, #tpu.memory_space<vmem>> -> memref<256x64xf32, #tpu.memory_space<vmem>>
    %dma_wait3A_131 = arith.constant 0 : i32
    %dma_wait3A_132 = tpu.memref_slice %arg4[%add3A_124, %dma_wait3A_131] : memref<819200x64xf32, #tpu.memory_space<hbm>> -> memref<256x64xf32, #tpu.memory_space<hbm>>
    %dma_wait3A_133 = tpu.memref_slice %arg8[%dma_wait3A_126] : memref<4x!tpu.dma_semaphore, #tpu.memory_space<semaphore_mem>> -> memref<1x!tpu.dma_semaphore, #tpu.memory_space<semaphore_mem>>
    %dma_wait3A_134 = tpu.memref_squeeze %dma_wait3A_133 : memref<1x!tpu.dma_semaphore, #tpu.memory_space<semaphore_mem>> -> memref<!tpu.dma_semaphore, #tpu.memory_space<semaphore_mem>>
    %dma_wait3A_135 = arith.constant 0 : i32
    %dma_wait3A_136 = tpu.memref_slice %arg4[%add3A_124, %dma_wait3A_135] : memref<819200x64xf32, #tpu.memory_space<hbm>> -> memref<256x64xf32, #tpu.memory_space<hbm>>
    %dma_wait3A_137 = arith.constant 0 : i32
    %dma_wait3A_138 = arith.constant 0 : i32
    %dma_wait3A_139 = tpu.memref_slice %arg6[%dma_wait3A_125, %dma_wait3A_137, %dma_wait3A_138] : memref<4x256x64xf32, #tpu.memory_space<vmem>> -> memref<1x256x64xf32, #tpu.memory_space<vmem>>
    %dma_wait3A_140 = tpu.memref_squeeze %dma_wait3A_139 : memref<1x256x64xf32, #tpu.memory_space<vmem>> -> memref<256x64xf32, #tpu.memory_space<vmem>>
    tpu.wait_dma2 semaphore(%dma_wait3A_134 : memref<!tpu.dma_semaphore, #tpu.memory_space<semaphore_mem>>) src(%dma_wait3A_140 : memref<256x64xf32, #tpu.memory_space<vmem>>) dst(%dma_wait3A_136 : memref<256x64xf32, #tpu.memory_space<hbm>>)
    return
  }
}

</mosaic_0001>

<sc_bundles>
// kernel: _gather_rows.3.cloned.1.call-start
scs
__scs_entry_jumppad:
0x0: {  	(pc) =	sbr.rel $0x88, $3  }
0x1: {  	(tag) =	ssettag $0x0;
	lr =	simm.s32 $0x1  }
0x2: {  	[smem:$0x3F9F] =	sst lr;
	_ =	strace $0xD0000000  }
0x3: {  	_ = 	snop  }
0x4: {  	_ = 	snop  }
0x5: {  	_ = 	snop  }
0x6: {  	_ = 	snop  }
0x7: {  	_ = 	snop  }
__scs_overlays_trampoline_lowered:
0x8: {  	[smem:$0x3FAE] =	sst s0  }
0x9: {  	[smem:$0x3FAF] =	sst s1  }
0xa: {  	[smem:$0x3FB0] =	sst s2  }
0xb: {  	[smem:$0x3FB1] =	sst s3  }
0xc: {  	[smem:$0x3FB2] =	sst s4  }
0xd: {  	[smem:$0x3FB3] =	sst s5  }
0xe: {  	[smem:$0x3FB4] =	sst s6  }
0xf: {  	[smem:$0x3FB5] =	sst s7  }
0x10: {  	[smem:$0x3FB6] =	sst s8  }
0x11: {  	[smem:$0x3FB7] =	sst s9;
	s0 =	simm.s32 @!p0 $0x0  }
0x12: {  	s1 =	sld [smem:$0x3F9D];
	s0 =	simm.s32 @p0 $0x1  }
0x13: {  	[smem:$0x3FB8] =	sst s0;
	s0 =	simm.s32 @!p1 $0x0  }
0x14: {  	s2 =	sld [smem:$0x3F9C];
	s0 =	simm.s32 @p1 $0x1  }
0x15: {  	[smem:$0x3FB9] =	sst s0;
	s0 =	simm.s32 @!p2 $0x0  }
0x16: {  	s3 =	sld [smem:$0x3FDB];
	s0 =	simm.s32 @p2 $0x1  }
0x17: {  	s4 =	simm.s32 $0x1BF5;
	[smem:$0x3FBB] =	sst s0  }
0x18: {  	s0 =	sld [smem:$0x3F9E];
	_ =	swait.ge [sflag:s4], $0x0  }
0x19: {  	s7 =	sld [smem:$0x3F9F]  }
0x1a: {  	s8 =	sadd.s32 $0xFFFFE003, lr  }
0x1b: {  	s9 =	sadd.s32 $0xFFFFFEF7, lr;
	s5 =	simm.s32 $0xFFFFFFFF;
	p2 =	slt.u32 s8, $0xFFFFF086  }
0x1c: {  	p1 =	slt.u32 s9, $0xF7A;
	s5 =	simm.s32 @!p2 $0x0  }
0x1d: {  	s5 =	simm.s32 @p1 $0x1;
	p0 =	seq.s32 s7, s2  }
0x1e: {  	s7 =	smul.u32 @!p0 $0xF7A, s2;
	p2 =	seq.s32 @!p0 s5, $0x0  }
0x1f: {  	s9 =	smul.u32 $0xF7A, s1;
	s8 =	simm.s32 @!p0 $0x1BF5;
	p2 =	por !p2, p0  }
0x20: {  	[sflag:s8] =	ssyncset.s32 @!p0 $0xFFFFF086;
	s6 =	sadd.s32 @!p0 s3, s7;
	s7 =	simm.s32 @!p0 $0x108  }
0x21: {  	s3 =	sadd.s32 s3, s9;
	s6 =	sadd.s32 @!p0 $0x88, s6;
	s7 =	simm.s32 @p2 $0x1082  }
0x22: {  	[simem:s7], [sflag:s8] =	dma.local @!p0 [hbm:s6], $0xF7A  }
0x23: {  	s9 =	sor.u32 $0xD0000000, s2;
	s6 =	simm.s32 $0x108;
	_ =	swait.ge @!p0 [sflag:s8], $0x0  }
0x24: {  	s3 =	sadd.s32 $0x88, s3;
	s6 =	simm.s32 @!p1 $0x1082;
	[sflag:s4] =	ssyncset.s32 $0xFFFFF086  }
0x25: {  	[simem:s6], [sflag:s4] =	dma.local [hbm:s3], $0xF7A  }
0x26: {  	[smem:$0x3F9F] =	sst s1;
	(tag) =	ssettag s2;
	_ =	strace s9  }
0x27: {  	s1 =	sld [smem:$0x3FAF]  }
0x28: {  	s2 =	sld [smem:$0x3FB0]  }
0x29: {  	s4 =	sld [smem:$0x3FB2]  }
0x2a: {  	p0 =	seq.s32 s5, $0x0;
	s5 =	sld [smem:$0x3FB3]  }
0x2b: {  	s6 =	sld [smem:$0x3FB4]  }
0x2c: {  	s7 =	sld [smem:$0x3FB5]  }
0x2d: {  	s3 =	simm.s32 $0x108;
	s8 =	sld [smem:$0x3FB6]  }
0x2e: {  	s3 =	simm.s32 @!p0 $0x1082;
	s9 =	sld [smem:$0x3FB7]  }
0x2f: {  	lr =	sadd.s32 s0, s3;
	s0 =	sld [smem:$0x3FAE]  }
0x30: {  	s3 =	sld [smem:$0x3FB1]  }
0x31: {  	[smem:$0x3FBA] =	sst s10  }
0x32: {  	s10 =	sld [smem:$0x3FB8];
	_ =	sdelay $0x3  }
0x33: {  	p0 =	seq.s32 s10, $0x1;
	s10 =	sld [smem:$0x3FBA];
	_ =	sdelay $0x3  }
0x34: {  	[smem:$0x3FBA] =	sst s10  }
0x35: {  	s10 =	sld [smem:$0x3FB9];
	_ =	sdelay $0x3  }
0x36: {  	p1 =	seq.s32 s10, $0x1;
	s10 =	sld [smem:$0x3FBA];
	_ =	sdelay $0x3  }
0x37: {  	[smem:$0x3FBA] =	sst s10  }
0x38: {  	s10 =	sld [smem:$0x3FBB]  }
0x39: {  	_ = 	snop;
	(pc) =	sbr.ind lr, $3  }
0x3a: {  	_ = 	snop  }
0x3b: {  	_ = 	snop  }
0x3c: {  	p2 =	seq.s32 s10, $0x1;
	s10 =	sld [smem:$0x3FBA]  }
0x3d: {  	_ =	shalt  }
0x3e: {  	_ =	shalt  }
0x3f: {  	_ =	shalt  }
0x40: {  	_ =	shalt  }
0x41: {  	_ =	shalt  }
0x42: {  	_ =	shalt  }
0x43: {  	_ =	shalt  }
0x44: {  	_ =	shalt  }
0x45: {  	_ =	shalt  }
0x46: {  	_ =	shalt  }
0x47: {  	_ =	shalt  }
0x48: {  	_ =	shalt  }
0x49: {  	_ =	shalt  }
0x4a: {  	_ =	shalt  }
0x4b: {  	_ =	shalt  }
0x4c: {  	_ =	shalt  }
0x4d: {  	_ =	shalt  }
0x4e: {  	_ =	shalt  }
0x4f: {  	_ =	shalt  }
0x50: {  	_ =	shalt  }
0x51: {  	_ =	shalt  }
0x52: {  	_ =	shalt  }
0x53: {  	_ =	shalt  }
0x54: {  	_ =	shalt  }
0x55: {  	_ =	shalt  }
0x56: {  	_ =	shalt  }
0x57: {  	_ =	shalt  }
0x58: {  	_ =	shalt  }
0x59: {  	_ =	shalt  }
0x5a: {  	_ =	shalt  }
0x5b: {  	_ =	shalt  }
0x5c: {  	_ =	shalt  }
0x5d: {  	_ =	shalt  }
0x5e: {  	_ =	shalt  }
0x5f: {  	_ =	shalt  }
0x60: {  	_ =	shalt  }
0x61: {  	_ =	shalt  }
0x62: {  	_ =	shalt  }
0x63: {  	_ =	shalt  }
0x64: {  	_ =	shalt  }
0x65: {  	_ =	shalt  }
0x66: {  	_ =	shalt  }
0x67: {  	_ =	shalt  }
0x68: {  	_ =	shalt  }
0x69: {  	_ =	shalt  }
0x6a: {  	_ =	shalt  }
0x6b: {  	_ =	shalt  }
0x6c: {  	_ =	shalt  }
0x6d: {  	_ =	shalt  }
0x6e: {  	_ =	shalt  }
0x6f: {  	_ =	shalt  }
0x70: {  	_ =	shalt  }
0x71: {  	_ =	shalt  }
0x72: {  	_ =	shalt  }
0x73: {  	_ =	shalt  }
0x74: {  	_ =	shalt  }
0x75: {  	_ =	shalt  }
0x76: {  	_ =	shalt  }
0x77: {  	_ =	shalt  }
0x78: {  	_ =	shalt  }
0x79: {  	_ =	shalt  }
0x7a: {  	_ =	shalt  }
0x7b: {  	_ =	shalt  }
0x7c: {  	_ =	shalt  }
0x7d: {  	_ =	shalt  }
0x7e: {  	_ =	shalt  }
0x7f: {  	_ =	shalt  }
0x80: {  	_ =	shalt  }
0x81: {  	_ =	shalt  }
0x82: {  	_ =	shalt  }
0x83: {  	_ =	shalt  }
0x84: {  	_ =	shalt  }
0x85: {  	_ =	shalt  }
0x86: {  	_ =	shalt  }
0x87: {  	_ =	shalt  }
.Lfunc_end0:
.L_simem_size_0:
called_computation.1_lowered:
.L_overlay_start_0:
0x88: {  	s2 =	sld [smem:$0x3FD9]  }
0x89: {  	s3 =	sld [smem:$0x3FFE];
	_ =	sdelay $0x1  }
0x8a: {  	s1 =	srdreg.scid  }
0x8b: {  	s0 =	sand.u32 $0x1, s1  }
0x8c: {  	s17 =	sshll.u32 s0, $0xA;
	s2 =	sadd.s32 s3, s2  }
0x8d: {  	s2 =	sadd.s32 s2, s17  }
0x8e: {  	[smem:$0x3FC6] =	sst s2  }
0x8f: {  	_ = 	snop  }
0x90: {  	s2 =	sld [smem:$0x3FD0];
	(tm) =	ssettm $0x1  }
0x91: {  	s18 =	sld [smem:$0x3FFB];
	_ =	sdelay $0x3  }
0x92: {  	_ =	strace s18  }
0x93: {  	s3 =	sld [smem:$0x3FFC];
	_ =	sdelay $0x3  }
0x94: {  	_ =	strace s3  }
0x95: {  	s3 =	sld [smem:$0x3FFD];
	_ =	sdelay $0x3  }
0x96: {  	_ =	strace s3  }
0x97: {  	_ =	strace $0x8FFFFFFF  }
0x98: {  	s19 =	sld [smem:$0x3FDB];
	_ =	sdelay $0x1  }
0x99: {  	s4 =	simm.s32 $_scs_section_size  }
0x9a: {  	s5 =	simm.s32 $_size__tile_overlayer_lowered;
	s6 =	simm.s32 $_tile_overlayer_lowered  }
0x9b: {  	s22 =	simm.s32 $0x1BFF;
	s21 =	sshll.u32 s6, $0x1;
	s3 =	sadd.s32 s4, s19  }
0x9c: {  	s7 =	simm.s32 $0x0;
	s20 =	sshll.u32 s5, $0x1;
	s5 =	sadd.s32 s21, s3  }
0x9d: {  	[timem:s7], [sflag:s22] =	dma.local [hbm:s5], s20  }
0x9e: {  	_ =	swait.ge [sflag:s22], s20  }
0x9f: {  	s4 =	ssub.s32 $0x0, s20;
	[sflag:s22] =	ssyncset.done $0x0  }
0xa0: {  	[sflag:s22] =	ssyncadd.s32 s4;
	_ =	sdelay $0x1  }
0xa1: {  	s23 =	simm.s32 $0x1B8B  }
0xa2: {  	_ =	swait.ge [sflag:s23], $0x1  }
0xa3: {  	[sflag:s23] =	ssyncset.done $0x0  }
0xa4: {  	s25 =	simm.s32 $0x1B8E;
	s24 =	sld [smem:$0x3FFE];
	[sflag:s23] =	ssyncadd.s32 $0xFFFFFFFF  }
0xa5: {  	s26 =	simm.s32 $execute0_lowered;
	[smem:$0x3FD2] =	sst s25  }
0xa6: {  	s5 =	sshll.u32 s26, $0x1;
	_ =	strace $0x80000046;
	[dreg:$0x1] =	wrdreg $0xFFFFFFFF  }
0xa7: {  	s28 =	simm.s32 $_size_execute0_lowered;
	s3 =	sadd.s32 s3, s5;
	[dreg:$0x0] =	wrdreg $0x0  }
0xa8: {  	s5 =	sshll.u32 s28, $0x1;
	[dreg:$0x2] =	wrdreg s3  }
0xa9: {  	[dreg:$0x3] =	wrdreg s5  }
0xaa: {  	[dreg:$0x4] =	wrdreg $0xC0  }
0xab: {  	_ =	task [dreg:s7], $0x5FFFF  }
0xac: {  	[dreg:$0x1] =	wrdreg $0xFFFFFFFF  }
0xad: {  	[dreg:$0x0] =	wrdreg $0x60  }
0xae: {  	[dreg:$0x2] =	wrdreg s24  }
0xaf: {  	[dreg:$0x3] =	wrdreg s2  }
0xb0: {  	[dreg:$0x4] =	wrdreg $0x9  }
0xb1: {  	_ =	task.clear_ibuf [dreg:s7], $0x5FFFF;
	_ =	strace $0x90000046  }
0xb2: {  	s29 =	simm.s32 $0x9;
	_ =	strace $0x80000048  }
0xb3: {  	_ =	swait.ge [sflag:s29], $0x1  }
0xb4: {  	[sflag:s29] =	ssyncadd.s32 $0xFFFFFFFF  }
0xb5: {  	_ =	strace $0x90000048  }
0xb6: {  	_ =	sfence  }
0xb7: {  	s30 =	sld [smem:$0x0];
	_ =	sdelay $0x2  }
0xb8: {  	s31 =	sshll.u32 s1, $0xD;
	s1 =	sshrl.u32 s1, $0x2  }
0xb9: {  	s3 =	sand.u32 $0x4000, s31;
	s1 =	sadd.s32 s1, s30  }
0xba: {  	s0 =	sor.u32 s3, s0;
	s1 =	sshll.u32 s1, $0x11  }
0xbb: {  	s0 =	sor.u32 s1, s0  }
0xbc: {  	s0 =	sadd.s32 $0x8F2B, s0  }
0xbd: {  	[sflag:s0] =	ssyncadd.remote.s32 $0x1  }
0xbe: {  	_ =	sfence.sel $0xFFFF  }
0xbf: {  	[dreg:$0x0] =	wrdreg $0xFFFFFFFF;
	(pc) =	sbr.abs _section_cstart, $3  }
0xc0: {  	[dreg:$0x1] =	wrdreg $0xFFFFFFFF  }
0xc1: {  	_ =	task.clear_ibuf [dreg:s7], $0x2FFFF;
	_ =	strace $0x9FFFFFFF  }
0xc2: {  	(tm) =	ssettm $0x7FFFFFFF  }
0xc3: {  	_ =	shalt  }
tec
execute0_lowered:
.L_overlay_start_1:
0x0: {  	(tag) =	ssettag $0x1  }
0x1: {  	s0 =	rddreg [dreg:$0x0];
	s1 =	srdreg.scid  }
0x2: {  	s8 =	stileid.u32;
	s10 =	rddreg [dreg:$0x1];
	s2 =	simm.s32 $0x0  }
0x3: {  	s14 =	simm.s32 $0x9;
	s15 =	simm.s32 $0x100;
	s16 =	simm.s32 $0x6400  }
0x4: {  	s17 =	simm.s32 $0xA400;
	s19 =	simm.s32 $0xE400;
	s21 =	simm.s32 $0x12400  }
0x5: {  	s22 =	simm.s32 $0x1;
	s23 =	simm.s32 $0x2;
	s9 =	smul.u32 $0x320000, s8  }
0x6: {  	s1 =	sand.u32 $0x1, s1;
	s3 =	sshll.u32 s8, $0x1;
	s8 =	smul.u32 $0xC800, s8  }
0x7: {  	s28 =	simm.s32 $0x6;
	s29 =	simm.s32 $0x7;
	s11 =	smul.u32 $0x6400, s1  }
0x8: {  	s3 =	sor.u32 s1, s3;
	s5 =	ssub.s32 $0x2, s1;
	s1 =	smul.u32 $0x190000, s1  }
0x9: {  	s30 =	simm.s32 $0x8;
	[smem:$0x7FF] =	sst s2;
	s4 =	smul.u32 $0xC80, s3  }
0xa: {  	s31 =	simm.s32 $0x0;
	_ =	strace $0x80000047;
	s6 =	smul.u32 $0x190000, s3  }
0xb: {  	s7 =	smul.u32 $0x32000, s3;
	s3 =	sadd.s32 $0xF42E00, s0;
	s24 =	sshrl.u32 s5, $0x1  }
0xc: {  	s26 =	sadd.s32 s11, s8;
	s1 =	sadd.s32 s1, s9;
	s4 =	sadd.s32 s4, s0  }
0xd: {  	s0 =	ssub.s32 s5, s24;
	s25 =	sshrl.u32 s6, $0x3;
	s12 =	sadd.s32 s10, s7  }
0xe: {  	s1 =	sshrl.u32 s1, $0x3;
	s24 =	simm.s32 $0x3;
	s4 =	sadd.s32 $0xA00, s4  }
0xf: {  	s5 =	smax.u32 s0, $0x1;
	s0 =	sadd.s32 s10, s25;
	s7 =	sadd.s32 $0x30800, s12  }
0x10: {  	s8 =	sadd.s32 $0x31000, s12;
	s9 =	sadd.s32 $0x31800, s12;
	s25 =	simm.s32 $0x4  }
0x11: {  	[dreg:$0x3] =	wrdreg s4;
	s6 =	sadd.s32 $0x30000, s0;
	s0 =	sshll.u32 s26, $0x3  }
0x12: {  	s26 =	simm.s32 $0x5;
	s0 =	sadd.s32 s0, s10;
	s10 =	sadd.s32 s1, s10  }
0x13: {  	s11 =	sadd.s32 $0x1800, s0;
	s12 =	sadd.s32 $0x1000, s0;
	s13 =	sadd.s32 $0x800, s0  }
.LBB2_1:
0x14: {  	s0 =	rddreg [dreg:$0x3]  }
0x15: {  	[tilespmem:s2], [sflag:$0x9] =	stream.linear.gather [hbm4b:s0+s2], $0x6400, $0x38;
	[tilespmem:$0x16400] =	vst v63  }
0x16: {  	_ =	swait.ge [sflag:s14], $0x6400  }
0x17: {  	[sflag:s14] =	ssyncset.done $0x0  }
0x18: {  	[sflag:s14] =	ssyncadd.s32 $0xFFFF9C00  }
0x19: {  	[tilespmem:s16], [sflag:$0x1] =	stream.indirect.gather [hbm4b:s3+s15], $0x40, s2, s15, $0xb8;
	[tilespmem:$0x16400] =	vst v63  }
0x1a: {  	_ = 	snop  }
0x1b: {  	[tilespmem:s17], [sflag:$0x2] =	stream.indirect.gather [hbm4b:s3+s15], $0x40, s15, s15, $0xb8;
	[tilespmem:$0x16400] =	vst v63  }
0x1c: {  	s20 =	simm.s32 $0x200  }
0x1d: {  	[tilespmem:s19], [sflag:$0x3] =	stream.indirect.gather [hbm4b:s3+s15], $0x40, s20, s15, $0xb8;
	[tilespmem:$0x16400] =	vst v63  }
0x1e: {  	s1 =	simm.s32 $0x300  }
0x1f: {  	[tilespmem:s21], [sflag:$0x4] =	stream.indirect.gather [hbm4b:s3+s15], $0x40, s1, s15, $0xb8;
	[tilespmem:$0x16400] =	vst v63  }
0x20: {  	_ =	swait.ge [sflag:s22], $0x4000  }
0x21: {  	[sflag:s22] =	ssyncset.done $0x0  }
0x22: {  	s4 =	sadd.s32 $0x0, s10;
	[sflag:s22] =	ssyncadd.s32 $0xFFFFC000  }
0x23: {  	[hbm4b:s4+s2] =	stream.linear.scatter [tilespmem:s16], [sflag:$0x5], $0x4000, $0x38;
	[tilespmem:$0x16400] =	vst v63  }
0x24: {  	_ =	swait.ge [sflag:s23], $0x4000  }
0x25: {  	[sflag:s23] =	ssyncset.done $0x0  }
0x26: {  	s18 =	sadd.s32 $0x0, s13;
	[sflag:s23] =	ssyncadd.s32 $0xFFFFC000  }
0x27: {  	[hbm4b:s18+s2] =	stream.linear.scatter [tilespmem:s17], [sflag:$0x6], $0x4000, $0x38;
	[tilespmem:$0x16400] =	vst v63  }
0x28: {  	_ =	swait.ge [sflag:s24], $0x4000  }
0x29: {  	[sflag:s24] =	ssyncset.done $0x0  }
0x2a: {  	s20 =	sadd.s32 $0x0, s12;
	[sflag:s24] =	ssyncadd.s32 $0xFFFFC000  }
0x2b: {  	[hbm4b:s20+s2] =	stream.linear.scatter [tilespmem:s19], [sflag:$0x7], $0x4000, $0x38;
	[tilespmem:$0x16400] =	vst v63  }
0x2c: {  	_ =	swait.ge [sflag:s25], $0x4000  }
0x2d: {  	[sflag:s25] =	ssyncset.done $0x0  }
0x2e: {  	s1 =	sadd.s32 $0x0, s11;
	[sflag:s25] =	ssyncadd.s32 $0xFFFFC000  }
0x2f: {  	[hbm4b:s1+s2] =	stream.linear.scatter [tilespmem:s21], [sflag:$0x8], $0x4000, $0x38;
	[tilespmem:$0x16400] =	vst v63  }
0x30: {  	_ =	swait.ge [sflag:s26], $0x4000  }
0x31: {  	[sflag:s26] =	ssyncset.done $0x0  }
0x32: {  	s4 =	simm.s32 $0x400;
	[sflag:s26] =	ssyncadd.s32 $0xFFFFC000  }
0x33: {  	[tilespmem:s16], [sflag:$0x1] =	stream.indirect.gather [hbm4b:s3+s15], $0x40, s4, s15, $0xb8;
	[tilespmem:$0x16400] =	vst v63  }
0x34: {  	_ =	swait.ge [sflag:s28], $0x4000  }
0x35: {  	[sflag:s28] =	ssyncset.done $0x0  }
0x36: {  	s18 =	simm.s32 $0x500;
	[sflag:s28] =	ssyncadd.s32 $0xFFFFC000  }
0x37: {  	[tilespmem:s17], [sflag:$0x2] =	stream.indirect.gather [hbm4b:s3+s15], $0x40, s18, s15, $0xb8;
	[tilespmem:$0x16400] =	vst v63  }
0x38: {  	_ =	swait.ge [sflag:s29], $0x4000  }
0x39: {  	[sflag:s29] =	ssyncset.done $0x0  }
0x3a: {  	s20 =	simm.s32 $0x600;
	[sflag:s29] =	ssyncadd.s32 $0xFFFFC000  }
0x3b: {  	[tilespmem:s19], [sflag:$0x3] =	stream.indirect.gather [hbm4b:s3+s15], $0x40, s20, s15, $0xb8;
	[tilespmem:$0x16400] =	vst v63  }
0x3c: {  	_ =	swait.ge [sflag:s30], $0x4000  }
0x3d: {  	s0 =	simm.s32 $0x2000;
	[sflag:s30] =	ssyncset.done $0x0  }
0x3e: {  	s1 =	simm.s32 $0x700;
	s18 =	simm.s32 $0xB00;
	[sflag:s30] =	ssyncadd.s32 $0xFFFFC000  }
.LBB2_2:
0x3f: {  	[tilespmem:s21], [sflag:$0x4] =	stream.indirect.gather [hbm4b:s3+s15], $0x40, s1, s15, $0xb8;
	[tilespmem:$0x16400] =	vst v63  }
0x40: {  	s20 =	smov.u32 s0;
	s1 =	smov.u32 s18  }
0x41: {  	p0 =	sne.s32 s0, $0x2E000;
	s0 =	sadd.s32 $0x2000, s0;
	_ =	swait.ge [sflag:s22], $0x4000  }
0x42: {  	[sflag:s22] =	ssyncset.done $0x0  }
0x43: {  	s4 =	sadd.s32 s20, s10;
	[sflag:s22] =	ssyncadd.s32 $0xFFFFC000  }
0x44: {  	[hbm4b:s4+s2] =	stream.linear.scatter [tilespmem:s16], [sflag:$0x5], $0x4000, $0x38;
	[tilespmem:$0x16400] =	vst v63  }
0x45: {  	_ =	swait.ge [sflag:s23], $0x4000  }
0x46: {  	[sflag:s23] =	ssyncset.done $0x0  }
0x47: {  	s4 =	sadd.s32 s20, s13;
	[sflag:s23] =	ssyncadd.s32 $0xFFFFC000  }
0x48: {  	[hbm4b:s4+s2] =	stream.linear.scatter [tilespmem:s17], [sflag:$0x6], $0x4000, $0x38;
	[tilespmem:$0x16400] =	vst v63  }
0x49: {  	_ =	swait.ge [sflag:s24], $0x4000  }
0x4a: {  	[sflag:s24] =	ssyncset.done $0x0  }
0x4b: {  	s4 =	sadd.s32 s20, s12;
	[sflag:s24] =	ssyncadd.s32 $0xFFFFC000  }
0x4c: {  	[hbm4b:s4+s2] =	stream.linear.scatter [tilespmem:s19], [sflag:$0x7], $0x4000, $0x38;
	[tilespmem:$0x16400] =	vst v63  }
0x4d: {  	_ =	swait.ge [sflag:s25], $0x4000  }
0x4e: {  	[sflag:s25] =	ssyncset.done $0x0  }
0x4f: {  	s4 =	sadd.s32 s20, s11;
	[sflag:s25] =	ssyncadd.s32 $0xFFFFC000  }
0x50: {  	[hbm4b:s4+s2] =	stream.linear.scatter [tilespmem:s21], [sflag:$0x8], $0x4000, $0x38;
	[tilespmem:$0x16400] =	vst v63  }
0x51: {  	_ =	swait.ge [sflag:s26], $0x4000  }
0x52: {  	[sflag:s26] =	ssyncset.done $0x0  }
0x53: {  	s4 =	sadd.s32 $0xFFFFFD00, s18;
	[sflag:s26] =	ssyncadd.s32 $0xFFFFC000  }
0x54: {  	[tilespmem:s16], [sflag:$0x1] =	stream.indirect.gather [hbm4b:s3+s15], $0x40, s4, s15, $0xb8;
	[tilespmem:$0x16400] =	vst v63  }
0x55: {  	_ =	swait.ge [sflag:s28], $0x4000  }
0x56: {  	[sflag:s28] =	ssyncset.done $0x0  }
0x57: {  	s4 =	sadd.s32 $0xFFFFFE00, s18;
	[sflag:s28] =	ssyncadd.s32 $0xFFFFC000  }
0x58: {  	[tilespmem:s17], [sflag:$0x2] =	stream.indirect.gather [hbm4b:s3+s15], $0x40, s4, s15, $0xb8;
	[tilespmem:$0x16400] =	vst v63  }
0x59: {  	_ =	swait.ge [sflag:s29], $0x4000  }
0x5a: {  	[sflag:s29] =	ssyncset.done $0x0  }
.Ltmp0:
0x5b: {  	s4 =	sadd.s32 $0xFFFFFF00, s18;
	[sflag:s29] =	ssyncadd.s32 $0xFFFFC000;
	(pc) =	sbr.rel @p0 .LBB2_2-.Ltmp0, $4  }
0x5c: {  	[tilespmem:s19], [sflag:$0x3] =	stream.indirect.gather [hbm4b:s3+s15], $0x40, s4, s15, $0xb8;
	[tilespmem:$0x16400] =	vst v63  }
0x5d: {  	_ =	swait.ge [sflag:s30], $0x4000  }
0x5e: {  	[sflag:s30] =	ssyncset.done $0x0  }
0x5f: {  	s18 =	sadd.s32 $0x400, s18;
	[sflag:s30] =	ssyncadd.s32 $0xFFFFC000  }
0x60: {  	[tilespmem:s21], [sflag:$0x4] =	stream.indirect.gather [hbm4b:s3+s15], $0x40, s1, s15, $0xb8;
	[tilespmem:$0x16400] =	vst v63  }
0x61: {  	_ =	swait.ge [sflag:s22], $0x4000  }
0x62: {  	[sflag:s22] =	ssyncset.done $0x0  }
0x63: {  	[sflag:s22] =	ssyncadd.s32 $0xFFFFC000  }
0x64: {  	[hbm4b:s6+s2] =	stream.linear.scatter [tilespmem:s16], [sflag:$0x5], $0x4000, $0x38;
	[tilespmem:$0x16400] =	vst v63  }
0x65: {  	_ =	swait.ge [sflag:s23], $0x4000  }
0x66: {  	[sflag:s23] =	ssyncset.done $0x0  }
0x67: {  	[sflag:s23] =	ssyncadd.s32 $0xFFFFC000  }
0x68: {  	[hbm4b:s7+s2] =	stream.linear.scatter [tilespmem:s17], [sflag:$0x6], $0x4000, $0x38;
	[tilespmem:$0x16400] =	vst v63  }
0x69: {  	_ =	swait.ge [sflag:s24], $0x4000  }
0x6a: {  	[sflag:s24] =	ssyncset.done $0x0  }
0x6b: {  	[sflag:s24] =	ssyncadd.s32 $0xFFFFC000  }
0x6c: {  	[hbm4b:s8+s2] =	stream.linear.scatter [tilespmem:s19], [sflag:$0x7], $0x4000, $0x38;
	[tilespmem:$0x16400] =	vst v63  }
0x6d: {  	_ =	swait.ge [sflag:s25], $0x4000  }
0x6e: {  	[sflag:s25] =	ssyncset.done $0x0  }
0x6f: {  	[sflag:s25] =	ssyncadd.s32 $0xFFFFC000  }
0x70: {  	[hbm4b:s9+s2] =	stream.linear.scatter [tilespmem:s21], [sflag:$0x8], $0x4000, $0x38;
	[tilespmem:$0x16400] =	vst v63  }
0x71: {  	_ =	swait.ge [sflag:s26], $0x4000  }
0x72: {  	[sflag:s26] =	ssyncset.done $0x0  }
0x73: {  	[sflag:s26] =	ssyncadd.s32 $0xFFFFC000  }
0x74: {  	_ =	swait.ge [sflag:s28], $0x4000  }
0x75: {  	[sflag:s28] =	ssyncset.done $0x0  }
0x76: {  	s31 =	sadd.s32 $0x1, s31;
	[sflag:s28] =	ssyncadd.s32 $0xFFFFC000  }
0x77: {  	p0 =	sne.s32 s31, s5;
	_ =	swait.ge [sflag:s29], $0x4000  }
.Ltmp1:
0x78: {  	[sflag:s29] =	ssyncset.done $0x0;
	(pc) =	sbr.rel @p0 .LBB2_1-.Ltmp1, $4  }
0x79: {  	[sflag:s29] =	ssyncadd.s32 $0xFFFFC000  }
0x7a: {  	_ =	swait.ge [sflag:s30], $0x4000  }
0x7b: {  	[sflag:s30] =	ssyncset.done $0x0  }
0x7c: {  	[sflag:s30] =	ssyncadd.s32 $0xFFFFC000  }
0x7d: {  	_ =	sfence.sel $0x180000  }
0x7e: {  	[bflag:$0x0] =	sbarrier.arrive $0xFFFF  }
0x7f: {  	_ =	strace $0x90000047  }
0x80: {  	s0 =	stileid.u32;
	[bflag:$0x2] =	sbarrier.arrive $0xFFFF  }
0x81: {  	p0 =	sne.s32 s0, $0x0;
	s0 =	rddreg [dreg:$0x2]  }
0x82: {  	s0 =	sadd.s32 @!p0 $0x100000, s0  }
0x83: {  	[sflag:s0] =	ssyncadd.tile.s32 @!p0 $0x1;
	_ =	shalt  }
.Lfunc_end2:
_tile_overlayer_lowered:
.L_overlay_start_2:
0x84: {  	(tag) =	ssettag $0x2  }
0x85: {  	s0 =	rddreg [dreg:$0x0];
	s2 =	stileid.u32  }
0x86: {  	s1 =	rddreg [dreg:$0x1];
	p0 =	sne.s32 s2, $0x0  }
0x87: {  	s3 =	rddreg [dreg:$0x2];
	[bflag:$0x3] =	sbarrier.arrive $0xFFFF;
	s2 =	simm.s32 @!p0 $0x1C09  }
0x88: {  	[timem:s3], [sflag:s2] =	dma.local @!p0 [hbm:s0], s1  }
0x89: {  	s0 =	simm.s32 @!p0 $0x9  }
0x8a: {  	_ =	swait.ge @!p0 [sflag:s0], s1  }
0x8b: {  	s1 =	ssub.s32 @!p0 $0x0, s1;
	[sflag:s0] =	ssyncset.done @!p0 $0x0  }
0x8c: {  	[sflag:s0] =	ssyncadd.s32 @!p0 s1  }
0x8d: {  	[bflag:$0x3] =	sbarrier.arrive $0xFFFF  }
0x8e: {  	_ =	shalt  }

// kernel: sparse-core-data-format-call.cloned.1.call-start
scs
called_computation_lowered:
.L_overlay_start_0:
0x0: {  	s2 =	sld [smem:$0x3FD9]  }
0x1: {  	s3 =	sld [smem:$0x3FFE];
	_ =	sdelay $0x1  }
0x2: {  	s1 =	srdreg.scid  }
0x3: {  	s0 =	sand.u32 $0x1, s1  }
0x4: {  	s18 =	sshll.u32 s0, $0xA;
	s2 =	sadd.s32 s3, s2  }
0x5: {  	s2 =	sadd.s32 s2, s18  }
0x6: {  	[smem:$0x3FC6] =	sst s2  }
0x7: {  	_ = 	snop  }
0x8: {  	s2 =	sld [smem:$0x3FD0];
	(tm) =	ssettm $0x1  }
0x9: {  	s19 =	sld [smem:$0x3FFB];
	_ =	sdelay $0x3  }
0xa: {  	_ =	strace s19  }
0xb: {  	s3 =	sld [smem:$0x3FFC];
	_ =	sdelay $0x3  }
0xc: {  	_ =	strace s3  }
0xd: {  	s3 =	sld [smem:$0x3FFD];
	_ =	sdelay $0x3  }
0xe: {  	_ =	strace s3  }
0xf: {  	_ =	strace $0x8FFFFFFF  }
0x10: {  	s20 =	sld [smem:$0x3FDB];
	_ =	sdelay $0x1  }
0x11: {  	s4 =	simm.s32 $_scs_section_size  }
0x12: {  	s5 =	simm.s32 $_size__tile_overlayer_lowered;
	s6 =	simm.s32 $_tile_overlayer_lowered  }
0x13: {  	s23 =	simm.s32 $0x1BFF;
	s22 =	sshll.u32 s6, $0x1;
	s3 =	sadd.s32 s4, s20  }
0x14: {  	s7 =	simm.s32 $0x0;
	s21 =	sshll.u32 s5, $0x1;
	s5 =	sadd.s32 s22, s3  }
0x15: {  	[timem:s7], [sflag:s23] =	dma.local [hbm:s5], s21  }
0x16: {  	_ =	swait.ge [sflag:s23], s21  }
0x17: {  	s4 =	ssub.s32 $0x0, s21;
	[sflag:s23] =	ssyncset.done $0x0  }
0x18: {  	[sflag:s23] =	ssyncadd.s32 s4;
	_ =	sdelay $0x1  }
0x19: {  	s24 =	simm.s32 $0x1B8B  }
0x1a: {  	_ =	swait.ge [sflag:s24], $0x1  }
0x1b: {  	[sflag:s24] =	ssyncset.done $0x0  }
0x1c: {  	s26 =	simm.s32 $0x1B8E;
	s25 =	sld [smem:$0x3FFE];
	[sflag:s24] =	ssyncadd.s32 $0xFFFFFFFF  }
0x1d: {  	s27 =	simm.s32 $execute0_lowered;
	[smem:$0x3FD2] =	sst s26  }
0x1e: {  	s5 =	sshll.u32 s27, $0x1;
	_ =	strace $0x80000049;
	[dreg:$0x1] =	wrdreg $0xFFFFFFFF  }
0x1f: {  	s28 =	simm.s32 $_size_execute0_lowered;
	s3 =	sadd.s32 s3, s5;
	[dreg:$0x0] =	wrdreg $0x0  }
0x20: {  	s5 =	sshll.u32 s28, $0x1;
	[dreg:$0x2] =	wrdreg s3  }
0x21: {  	[dreg:$0x3] =	wrdreg s5  }
0x22: {  	[dreg:$0x4] =	wrdreg $0xC0  }
0x23: {  	_ =	task [dreg:s7], $0x5FFFF  }
0x24: {  	[dreg:$0x1] =	wrdreg $0xFFFFFFFF  }
0x25: {  	[dreg:$0x0] =	wrdreg $0x60  }
0x26: {  	[dreg:$0x2] =	wrdreg s25  }
0x27: {  	[dreg:$0x3] =	wrdreg s2  }
0x28: {  	[dreg:$0x4] =	wrdreg $0x9  }
0x29: {  	_ =	task.clear_ibuf [dreg:s7], $0x5FFFF;
	_ =	strace $0x90000049  }
0x2a: {  	s29 =	simm.s32 $0x9;
	_ =	strace $0x8000004B  }
0x2b: {  	_ =	swait.ge [sflag:s29], $0x1  }
0x2c: {  	[sflag:s29] =	ssyncadd.s32 $0xFFFFFFFF  }
0x2d: {  	_ =	strace $0x9000004B  }
0x2e: {  	_ =	sfence  }
0x2f: {  	s30 =	sld [smem:$0x0];
	_ =	sdelay $0x2  }
0x30: {  	s31 =	sshll.u32 s1, $0xD;
	s1 =	sshrl.u32 s1, $0x2  }
0x31: {  	s3 =	sand.u32 $0x4000, s31;
	s1 =	sadd.s32 s1, s30  }
0x32: {  	s0 =	sor.u32 s3, s0;
	s1 =	sshll.u32 s1, $0x11  }
0x33: {  	s0 =	sor.u32 s1, s0  }
0x34: {  	s0 =	sadd.s32 $0x8F2B, s0  }
0x35: {  	[sflag:s0] =	ssyncadd.remote.s32 $0x1  }
0x36: {  	_ =	sfence.sel $0xFFFF  }
0x37: {  	[dreg:$0x0] =	wrdreg $0xFFFFFFFF;
	(pc) =	sbr.abs _section_cstart, $3  }
0x38: {  	[dreg:$0x1] =	wrdreg $0xFFFFFFFF  }
0x39: {  	_ =	task.clear_ibuf [dreg:s7], $0x2FFFF;
	_ =	strace $0x9FFFFFFF  }
0x3a: {  	(tm) =	ssettm $0x7FFFFFFF  }
0x3b: {  	_ =	shalt  }
tec
execute0_lowered:
.L_overlay_start_1:
0x0: {  	(tag) =	ssettag $0x1  }
0x1: {  	s0 =	srdreg.scid  }
0x2: {  	s1 =	sshll.u32 s0, $0x4  }
0x3: {  	s4 =	rddreg [dreg:$0x0];
	s0 =	stileid.u32;
	s1 =	sand.u32 $0x10, s1  }
0x4: {  	s2 =	rddreg [dreg:$0x1];
	s7 =	simm.s32 $0x1;
	s1 =	sor.u32 s0, s1  }
0x5: {  	s8 =	simm.s32 $0x2;
	s11 =	simm.s32 $0x0;
	s3 =	sshll.u32 s1, $0x7  }
0x6: {  	s10 =	simm.s32 $0x0;
	s4 =	sadd.s32 $0xA00, s4;
	s6 =	ssub.s32 $0xC8000, s3  }
.Ltmp0:
0x7: {  	s1 =	rddreg [dreg:$0x2];
	s5 =	sand.u32 $0xF80, s6;
	(pc) =	sbr.rel .LBB1_1-.Ltmp0, $4  }
0x8: {  	_ =	strace $0x8000004A;
	s9 =	smov.u32 s3;
	p0 =	sne.s32 s5, $0x0  }
0x9: {  	s6 =	sshrl.u32 s6, $0xC;
	s5 =	simm.s32 $0x1;
	s7 =	simm.s32 @!p0 $0x0  }
0xa: {  	[sflag:s5] =	ssyncpa.u1 $0x0;
	p0 =	por $0x0, $0x0;
	s6 =	sadd.s32 s7, s6  }
0xb: {  	[sflag:s8] =	ssyncpa.u1 $0x0;
	s8 =	simm.s32 $0x640000;
	s7 =	sadd.s32 $0x1, s6  }
.LBB1_4:
0xc: {  	s14 =	sshll.u32 s11, $0x3  }
0xd: {  	s30 =	sand.u32 $0x7F, s11;
	s15 =	sand.u32 $0xFFFFFC00, s14  }
0xe: {  	s11 =	sor.u32 s30, s15  }
0xf: {  	s15 =	smulhi.u32 $0x51EB851F, s11  }
0x10: {  	s14 =	smulhi.u32 $0x51EB851F, s14  }
0x11: {  	s15 =	sshrl.u32 s15, $0x12  }
0x12: {  	s14 =	sshrl.u32 s14, $0x12;
	s15 =	smul.u32 $0xC8000, s15  }
0x13: {  	s14 =	sand.u32 $0x3F, s14  }
0x14: {  	s14 =	smul.u32 $0x19000, s14;
	s11 =	ssub.s32 s11, s15  }
0x15: {  	[tilespmem:s13+$0x810 ss:$0x81] =	vst.msk $0xffff, v2;
	s15 =	sand.u32 $0x7, s11  }
0x16: {  	[tilespmem:s13+$0x1020 ss:$0x81] =	vst.msk $0xffff, v0;
	s14 =	sadd.s32 s2, s14;
	s11 =	sshrl.u32 s11, $0x3;
	s15 =	sshll.u32 s15, $0x12  }
0x17: {  	[tilespmem:s13+$0x0 ss:$0x81] =	vst.msk $0xffff, v1;
	s11 =	sadd.s32 s11, s14;
	s31 =	sor.u32 $0x400, s15  }
0x18: {  	[hbm4b:s11+s31] =	stream.strided.scatter [tilespmem:s12], [sflag:$0x2], $0x2000, s8, s31, $0x20;
	[tilespmem:$0x8080] =	vst v63  }
.LBB1_5:
0x19: {  	s13 =	sadd.s32 $0x1000, s9  }
0x1a: {  	p2 =	sgt.s32 s13, $0xC7FFF  }
0x1b: {  	s13 =	smov.u32 @p2 s3;
	p2 =	sne.s32 s10, s7  }
.Ltmp1:
0x1c: {  	p1 =	slt.u32 s10, $0x2;
	(pc) =	sbr.rel @!p2 .LBB1_6-.Ltmp1, $4  }
0x1d: {  	s12 =	simm.s32 @!p1 $0x2  }
0x1e: {  	s14 =	sadd.s32 $0x1, s10;
	_ =	swait.ge @!p1 [sflag:s12], $0x2000  }
0x1f: {  	s11 =	smov.u32 s9;
	p0 =	por !p0, !p0;
	[sflag:s12] =	ssyncset.done @!p1 $0x0  }
0x20: {  	s10 =	smov.u32 s14;
	s9 =	smov.u32 s13;
	[sflag:s12] =	ssyncadd.s32 @!p1 $0xFFFFE000  }
.LBB1_1:
0x21: {  	p1 =	sge.u32 s10, s6  }
0x22: {  	s12 =	sand.u32 @!p1 $0x1FFFFFF, s9  }
0x23: {  	s13 =	smulhi.u32 @!p1 $0x147AE15, s12;
	_ =	sdelay $0x1  }
0x24: {  	s13 =	sshrl.u32 @!p1 s13, $0xC  }
0x25: {  	s13 =	smul.u32 @!p1 $0xC8000, s13;
	_ =	sdelay $0x1  }
0x26: {  	s31 =	sadd.s32 $0xFFFFFFFF, s10;
	s14 =	sxor.u32 @!p1 $0xFFFFFFFF, s10;
	s12 =	ssub.s32 @!p1 s12, s13  }
0x27: {  	s15 =	simm.s32 @!p1 $0x80;
	s14 =	sshll.u32 @!p1 s14, $0xD;
	s12 =	sshll.u32 @!p1 s12, $0x4  }
0x28: {  	s13 =	sand.u32 @!p1 $0x2000, s14;
	s14 =	simm.s32 @!p1 $0x40;
	s12 =	sadd.s32 @!p1 s4, s12  }
0x29: {  	[tilespmem:s13], [sflag:$0x1] =	stream.strided.gather @!p1 [hbm4b:s12+s14], $0x2000, s15, s14, $0x38;
	[tilespmem:$0x8080] =	vst v63  }
0x2a: {  	p1 =	sge.u32 s31, s6  }
.Ltmp2:
0x2b: {  	_ = 	snop;
	(pc) =	sbr.rel @p1 .LBB1_5-.Ltmp2, $1  }
0x2c: {  	_ =	sdelay $0x3  }
0x2d: {  	s12 =	simm.s32 $0x1  }
0x2e: {  	_ =	swait.ge [sflag:s5], $0x2000;
	s12 =	simm.s32 @!p0 $0x0  }
0x2f: {  	[sflag:s5] =	ssyncset.done $0x0;
	s13 =	sshll.u32 s12, $0xD  }
0x30: {  	[sflag:s5] =	ssyncadd.s32 $0xFFFFE000;
	s16 =	sor.u32 $0x20, s13  }
0x31: {  	s12 =	smul.u32 $0x8100, s12;
	v3 =	vld [tilespmem:s16+$0x10]  }
0x32: {  	s30 =	sand.u32 $0x1, s10;
	v2 =	vld [tilespmem:s16+$0xFFFFFFF0]  }
0x33: {  	s13 =	smul.u32 $0x8100, s30;
	s12 =	sshrl.u32 s12, $0x2;
	v0 =	vld [tilespmem:s16+$0x0]  }
0x34: {  	v1 =	vld [tilespmem:s16+$0xFFFFFFE0];
	s14 =	sor.u32 $0x4000, s12  }
0x35: {  	s31 =	sshrl.u32 s13, $0x2;
	s13 =	sadd.s32 $0x0, s14  }
0x36: {  	s15 =	simm.s32 $0x4;
	s16 =	sadd.s32 $0x40, s16;
	s12 =	sor.u32 $0x4000, s31;
	[tilespmem:s13+$0x1830 ss:$0x81] =	vst.msk $0xffff, v3  }
.LBB1_3:
0x37: {  	v3 =	vld [tilespmem:s16+$0x10];
	p1 =	sne.s32 s15, $0x1FC;
	[tilespmem:s13+$0x810 ss:$0x81] =	vst.msk $0xffff, v2;
	s17 =	smov.u32 s15;
	s15 =	sadd.s32 $0x4, s15  }
.Ltmp3:
0x38: {  	v2 =	vld [tilespmem:s16+$0xFFFFFFF0];
	[tilespmem:s13+$0x1020 ss:$0x81] =	vst.msk $0xffff, v0;
	(pc) =	sbr.rel @p1 .LBB1_3-.Ltmp3, $4  }
0x39: {  	v0 =	vld [tilespmem:s16+$0x0];
	[tilespmem:s13+$0x0 ss:$0x81] =	vst.msk $0xffff, v1  }
0x3a: {  	s13 =	sshra.s32 s17, $0x2;
	v1 =	vld [tilespmem:s16+$0xFFFFFFE0]  }
0x3b: {  	s13 =	sadd.s32 s13, s14  }
0x3c: {  	s16 =	sadd.s32 $0x40, s16;
	[tilespmem:s13+$0x1830 ss:$0x81] =	vst.msk $0xffff, v3  }
.Ltmp4:
0x3d: {  	_ = 	snop;
	(pc) =	sbr.rel .LBB1_4-.Ltmp4, $1  }
0x3e: {  	_ =	sdelay $0x3  }
.LBB1_6:
0x3f: {  	_ =	sfence.sel $0x180000  }
0x40: {  	s2 =	simm.s32 $0x1;
	[bflag:$0x0] =	sbarrier.arrive $0xFFFF  }
0x41: {  	s31 =	simm.s32 $0x2;
	[sflag:s2] =	ssyncpa.u1 $0x1  }
0x42: {  	[sflag:s31] =	ssyncpa.u1 $0x1  }
0x43: {  	p0 =	sne.s32 s0, $0x0;
	_ =	strace $0x9000004A  }
0x44: {  	s0 =	sadd.s32 @!p0 $0x100000, s1;
	[bflag:$0x2] =	sbarrier.arrive $0xFFFF  }
0x45: {  	[sflag:s0] =	ssyncadd.tile.s32 @!p0 $0x1;
	_ =	shalt  }
.Lfunc_end1:
_tile_overlayer_lowered:
.L_overlay_start_2:
0x46: {  	(tag) =	ssettag $0x2  }
0x47: {  	s0 =	rddreg [dreg:$0x0];
	s2 =	stileid.u32  }
0x48: {  	s1 =	rddreg [dreg:$0x1];
	p0 =	sne.s32 s2, $0x0  }
0x49: {  	s3 =	rddreg [dreg:$0x2];
	[bflag:$0x3] =	sbarrier.arrive $0xFFFF;
	s2 =	simm.s32 @!p0 $0x1C01  }
0x4a: {  	[timem:s3], [sflag:s2] =	dma.local @!p0 [hbm:s0], s1  }
0x4b: {  	s0 =	simm.s32 @!p0 $0x1  }
0x4c: {  	_ =	swait.ge @!p0 [sflag:s0], s1  }
0x4d: {  	s1 =	ssub.s32 @!p0 $0x0, s1;
	[sflag:s0] =	ssyncset.done @!p0 $0x0  }
0x4e: {  	[sflag:s0] =	ssyncadd.s32 @!p0 s1  }
0x4f: {  	[bflag:$0x3] =	sbarrier.arrive $0xFFFF  }
0x50: {  	_ =	shalt  }

</sc_bundles>
